<compile_context>
chip_gen: v7x
topology: tpu7x:2x2x1
jax: 0.10.2.dev20260603
libtpu: 0.0.44.dev20260713+nightly
codegen_flags: <defaults>
</compile_context>

<pallas_src>
import functools

import jax
import jax.numpy as jnp
from jax import lax
from jax.experimental import pallas as pl
from jax.experimental.pallas import tpu as pltpu
from jax.experimental.pallas import tpu_sc as plsc

R, C = 128, 100000
TPW = 390
BATCH = 15

_mesh = plsc.VectorSubcoreMesh(core_axis_name="c", subcore_axis_name="s")


@functools.partial(
    pl.kernel,
    out_type=jax.ShapeDtypeStruct((8, 128), jnp.float32),
    mesh=_mesh,
    scratch_types=[
        pltpu.VMEM((BATCH, 8, 128), jnp.float32),
        pltpu.SemaphoreType.DMA,
    ],
)
def _reader(g_hbm, out_hbm, buf, sem):
    wid = lax.axis_index("s") * 2 + lax.axis_index("c")
    grp = wid % 16
    half = wid // 16
    t0 = half * TPW

    def batch_body(b, carry):
        base = (t0 + b * BATCH) * 128
        cps = []
        for j in range(BATCH):
            off = pl.multiple_of(base + j * 128, 128)
            cps.append(
                pltpu.make_async_copy(
                    g_hbm.at[pl.ds(grp * 8, 8), pl.ds(off, 128)],
                    buf.at[j],
                    sem,
                )
            )
        for cp in cps:
            cp.start()
        for cp in cps:
            cp.wait()
        return carry

    lax.fori_loop(0, TPW // BATCH, batch_body, 0)

    @pl.when(wid == 0)
    def _out():
        pltpu.sync_copy(buf.at[0], out_hbm)


@jax.jit
def kernel(logits, gumbel):
    return _reader(gumbel)

# --- scband reference (transcript-rebuilt; emitter-appended) ---
"""Pipeline reference for scband-gumbel-max-layer-61555471286540 (READ-ONLY COPY).

The authoritative reference and input builder live on the scoring server;
editing this copy changes nothing except your own understanding.
"""

import jax, jax.numpy as jnp
import numpy as np

TAU = 1.0
SHAPE = (128, 100000)

def setup_inputs(seed: int = 0) -> dict:
    key = jax.random.key(seed)
    k1, k2 = jax.random.split(key)
    # learned parameter: initialized to zeros like nn.Parameter(torch.zeros(input_size))
    logits = jnp.zeros(SHAPE, dtype=jnp.float32)
    # gumbel noise (sampled fresh each forward in torch; materialized here for determinism)
    gumbel = jax.random.gumbel(k2, SHAPE, dtype=jnp.float32)
    return {"logits": logits, "gumbel": gumbel}

def reference(logits, gumbel):
    # F.gumbel_softmax(logits, tau=TAU, hard=True)
    y = (logits + gumbel) / TAU
    y_soft = jax.nn.softmax(y, axis=-1)
    index = jnp.argmax(y_soft, axis=-1)
    y_hard = jax.nn.one_hot(index, y_soft.shape[-1], dtype=y_soft.dtype)
    # straight-through estimator
    return y_hard - jax.lax.stop_gradient(y_soft) + y_soft

if __name__ == "__main__":
    import jax
    _d = setup_inputs()
    print(jax.jit(kernel)(*tuple(_d.values())))

</pallas_src>

<mosaic_0001>
#map = affine_map<(d0, d1) -> (0, 0)>
module attributes {stable_mosaic.version = 14 : i64} {
  func.func @_reader(%arg0: i32, %arg1: i32, %arg2: memref<128x100000xf32, #tpu.memory_space<hbm>>, %arg3: memref<8x128xf32, #tpu.memory_space<hbm>>, %arg4: memref<15x8x128xf32, #tpu.memory_space<vmem>>, %arg5: memref<!tpu.dma_semaphore, #tpu.memory_space<semaphore_mem>>) attributes {dimension_semantics = [#tpu.dimension_semantics<core_parallel>, #tpu.dimension_semantics<subcore_parallel>], iteration_bounds = array<i64: 2, 16>, scalar_prefetch = 0 : i64, scratch_operands = 2 : i64, tpu.core_type = #tpu.core_type<sc_vector_subcore>, window_params = [{transform_indices = #map}, {transform_indices = #map}]} {
    %mul3A = arith.constant 2 : i32
    %mul3A_0 = arith.muli %arg1, %mul3A : i32
    %add3A = arith.addi %mul3A_0, %arg0 : i32
    %jit3A = arith.constant 16 : i32
    %eq3A = arith.constant 0 : i32
    %eq3A_1 = arith.cmpi eq, %jit3A, %eq3A : i32
    %jit3A_2 = arith.constant 1 : i32
    %select_n3A = arith.select %eq3A_1, %jit3A_2, %jit3A : i32
    %rem3A = arith.remsi %add3A, %select_n3A : i32
    %ne3A = arith.constant 0 : i32
    %ne3A_3 = arith.cmpi ne, %rem3A, %ne3A : i32
    %lt3A = arith.constant 0 : i32
    %lt3A_4 = arith.cmpi slt, %rem3A, %lt3A : i32
    %lt3A_5 = arith.constant 0 : i32
    %lt3A_6 = arith.cmpi slt, %select_n3A, %lt3A_5 : i32
    %ne3A_7 = arith.xori %lt3A_4, %lt3A_6 : i1
    %and3A = arith.andi %ne3A_7, %ne3A_3 : i1
    %add3A_8 = arith.addi %rem3A, %select_n3A : i32
    %select_n3A_9 = arith.select %and3A, %add3A_8, %rem3A : i32
    %jit3A_10 = arith.constant 16 : i32
    %div3A = arith.divsi %add3A, %jit3A_10 : i32
    %sign3A = arith.constant 0 : i32
    %sign3A_11 = arith.cmpi sgt, %add3A, %sign3A : i32
    %sign3A_12 = arith.extui %sign3A_11 : i1 to i32
    %sign3A_13 = arith.constant 0 : i32
    %sign3A_14 = arith.cmpi slt, %add3A, %sign3A_13 : i32
    %sign3A_15 = arith.extui %sign3A_14 : i1 to i32
    %sign3A_16 = arith.subi %sign3A_12, %sign3A_15 : i32
    %sign3A_17 = arith.constant 0 : i32
    %sign3A_18 = arith.cmpi sgt, %jit3A_10, %sign3A_17 : i32
    %sign3A_19 = arith.extui %sign3A_18 : i1 to i32
    %sign3A_20 = arith.constant 0 : i32
    %sign3A_21 = arith.cmpi slt, %jit3A_10, %sign3A_20 : i32
    %sign3A_22 = arith.extui %sign3A_21 : i1 to i32
    %sign3A_23 = arith.subi %sign3A_19, %sign3A_22 : i32
    %ne3A_24 = arith.cmpi ne, %sign3A_16, %sign3A_23 : i32
    %rem3A_25 = arith.remsi %add3A, %jit3A_10 : i32
    %ne3A_26 = arith.constant 0 : i32
    %ne3A_27 = arith.cmpi ne, %rem3A_25, %ne3A_26 : i32
    %and3A_28 = arith.andi %ne3A_24, %ne3A_27 : i1
    %sub3A = arith.constant 1 : i32
    %sub3A_29 = arith.subi %div3A, %sub3A : i32
    %select_n3A_30 = arith.select %and3A_28, %sub3A_29, %div3A : i32
    %mul3A_31 = arith.constant 390 : i32
    %mul3A_32 = arith.muli %select_n3A_30, %mul3A_31 : i32
    %scan3A = arith.constant 0 : i32
    %scan3A_33 = arith.constant 0 : i32
    %scan3A_34 = arith.constant 26 : i32
    %scan3A_35 = arith.addi %scan3A_33, %scan3A_34 : i32
    %scan3A_36 = arith.constant 1 : i32
    scf.for %scan3A_41 = %scan3A_33 to %scan3A_35 step %scan3A_36  : i32 {
      %mul3A_42 = arith.constant 15 : i32
      %mul3A_43 = arith.muli %scan3A_41, %mul3A_42 : i32
      %add3A_44 = arith.addi %mul3A_32, %mul3A_43 : i32
      %mul3A_45 = arith.constant 128 : i32
      %mul3A_46 = arith.muli %add3A_44, %mul3A_45 : i32
      %add3A_47 = arith.constant 0 : i32
      %add3A_48 = arith.addi %mul3A_46, %add3A_47 : i32
      %multiple_of3A = tpu.assume_multiple %add3A_48, 128 : i32
      %mul3A_49 = arith.constant 8 : i32
      %mul3A_50 = arith.muli %select_n3A_9, %mul3A_49 : i32
      %add3A_51 = arith.constant 128 : i32
      %add3A_52 = arith.addi %mul3A_46, %add3A_51 : i32
      %multiple_of3A_53 = tpu.assume_multiple %add3A_52, 128 : i32
      %mul3A_54 = arith.constant 8 : i32
      %mul3A_55 = arith.muli %select_n3A_9, %mul3A_54 : i32
      %add3A_56 = arith.constant 256 : i32
      %add3A_57 = arith.addi %mul3A_46, %add3A_56 : i32
      %multiple_of3A_58 = tpu.assume_multiple %add3A_57, 128 : i32
      %mul3A_59 = arith.constant 8 : i32
      %mul3A_60 = arith.muli %select_n3A_9, %mul3A_59 : i32
      %add3A_61 = arith.constant 384 : i32
      %add3A_62 = arith.addi %mul3A_46, %add3A_61 : i32
      %multiple_of3A_63 = tpu.assume_multiple %add3A_62, 128 : i32
      %mul3A_64 = arith.constant 8 : i32
      %mul3A_65 = arith.muli %select_n3A_9, %mul3A_64 : i32
      %add3A_66 = arith.constant 512 : i32
      %add3A_67 = arith.addi %mul3A_46, %add3A_66 : i32
      %multiple_of3A_68 = tpu.assume_multiple %add3A_67, 128 : i32
      %mul3A_69 = arith.constant 8 : i32
      %mul3A_70 = arith.muli %select_n3A_9, %mul3A_69 : i32
      %add3A_71 = arith.constant 640 : i32
      %add3A_72 = arith.addi %mul3A_46, %add3A_71 : i32
      %multiple_of3A_73 = tpu.assume_multiple %add3A_72, 128 : i32
      %mul3A_74 = arith.constant 8 : i32
      %mul3A_75 = arith.muli %select_n3A_9, %mul3A_74 : i32
      %add3A_76 = arith.constant 768 : i32
      %add3A_77 = arith.addi %mul3A_46, %add3A_76 : i32
      %multiple_of3A_78 = tpu.assume_multiple %add3A_77, 128 : i32
      %mul3A_79 = arith.constant 8 : i32
      %mul3A_80 = arith.muli %select_n3A_9, %mul3A_79 : i32
      %add3A_81 = arith.constant 896 : i32
      %add3A_82 = arith.addi %mul3A_46, %add3A_81 : i32
      %multiple_of3A_83 = tpu.assume_multiple %add3A_82, 128 : i32
      %mul3A_84 = arith.constant 8 : i32
      %mul3A_85 = arith.muli %select_n3A_9, %mul3A_84 : i32
      %add3A_86 = arith.constant 1024 : i32
      %add3A_87 = arith.addi %mul3A_46, %add3A_86 : i32
      %multiple_of3A_88 = tpu.assume_multiple %add3A_87, 128 : i32
      %mul3A_89 = arith.constant 8 : i32
      %mul3A_90 = arith.muli %select_n3A_9, %mul3A_89 : i32
      %add3A_91 = arith.constant 1152 : i32
      %add3A_92 = arith.addi %mul3A_46, %add3A_91 : i32
      %multiple_of3A_93 = tpu.assume_multiple %add3A_92, 128 : i32
      %mul3A_94 = arith.constant 8 : i32
      %mul3A_95 = arith.muli %select_n3A_9, %mul3A_94 : i32
      %add3A_96 = arith.constant 1280 : i32
      %add3A_97 = arith.addi %mul3A_46, %add3A_96 : i32
      %multiple_of3A_98 = tpu.assume_multiple %add3A_97, 128 : i32
      %mul3A_99 = arith.constant 8 : i32
      %mul3A_100 = arith.muli %select_n3A_9, %mul3A_99 : i32
      %add3A_101 = arith.constant 1408 : i32
      %add3A_102 = arith.addi %mul3A_46, %add3A_101 : i32
      %multiple_of3A_103 = tpu.assume_multiple %add3A_102, 128 : i32
      %mul3A_104 = arith.constant 8 : i32
      %mul3A_105 = arith.muli %select_n3A_9, %mul3A_104 : i32
      %add3A_106 = arith.constant 1536 : i32
      %add3A_107 = arith.addi %mul3A_46, %add3A_106 : i32
      %multiple_of3A_108 = tpu.assume_multiple %add3A_107, 128 : i32
      %mul3A_109 = arith.constant 8 : i32
      %mul3A_110 = arith.muli %select_n3A_9, %mul3A_109 : i32
      %add3A_111 = arith.constant 1664 : i32
      %add3A_112 = arith.addi %mul3A_46, %add3A_111 : i32
      %multiple_of3A_113 = tpu.assume_multiple %add3A_112, 128 : i32
      %mul3A_114 = arith.constant 8 : i32
      %mul3A_115 = arith.muli %select_n3A_9, %mul3A_114 : i32
      %add3A_116 = arith.constant 1792 : i32
      %add3A_117 = arith.addi %mul3A_46, %add3A_116 : i32
      %multiple_of3A_118 = tpu.assume_multiple %add3A_117, 128 : i32
      %mul3A_119 = arith.constant 8 : i32
      %mul3A_120 = arith.muli %select_n3A_9, %mul3A_119 : i32
      %dma_start3A = arith.constant 0 : i32
      %dma_start3A_121 = arith.constant 0 : i32
      %dma_start3A_122 = arith.constant 0 : i32
      %dma_start3A_123 = tpu.memref_slice %arg4[%dma_start3A, %dma_start3A_121, %dma_start3A_122] : memref<15x8x128xf32, #tpu.memory_space<vmem>> -> memref<1x8x128xf32, #tpu.memory_space<vmem>>
      %dma_start3A_124 = tpu.memref_squeeze %dma_start3A_123 : memref<1x8x128xf32, #tpu.memory_space<vmem>> -> memref<8x128xf32, #tpu.memory_space<vmem>>
      %dma_start3A_125 = tpu.memref_slice %arg2[%mul3A_50, %multiple_of3A] : memref<128x100000xf32, #tpu.memory_space<hbm>> -> memref<8x128xf32, #tpu.memory_space<hbm>>
      %dma_start3A_126 = arith.constant 0 : i32
      %dma_start3A_127 = arith.constant 0 : i32
      %dma_start3A_128 = tpu.memref_slice %arg4[%dma_start3A, %dma_start3A_126, %dma_start3A_127] : memref<15x8x128xf32, #tpu.memory_space<vmem>> -> memref<1x8x128xf32, #tpu.memory_space<vmem>>
      %dma_start3A_129 = tpu.memref_squeeze %dma_start3A_128 : memref<1x8x128xf32, #tpu.memory_space<vmem>> -> memref<8x128xf32, #tpu.memory_space<vmem>>
      %dma_start3A_130 = tpu.memref_slice %arg2[%mul3A_50, %multiple_of3A] : memref<128x100000xf32, #tpu.memory_space<hbm>> -> memref<8x128xf32, #tpu.memory_space<hbm>>
      tpu.enqueue_dma source(%dma_start3A_130 : memref<8x128xf32, #tpu.memory_space<hbm>>) target(%dma_start3A_129 : memref<8x128xf32, #tpu.memory_space<vmem>>) target_semaphore(%arg5 : memref<!tpu.dma_semaphore, #tpu.memory_space<semaphore_mem>>)
      %dma_start3A_131 = arith.constant 1 : i32
      %dma_start3A_132 = arith.constant 0 : i32
      %dma_start3A_133 = arith.constant 0 : i32
      %dma_start3A_134 = tpu.memref_slice %arg4[%dma_start3A_131, %dma_start3A_132, %dma_start3A_133] : memref<15x8x128xf32, #tpu.memory_space<vmem>> -> memref<1x8x128xf32, #tpu.memory_space<vmem>>
      %dma_start3A_135 = tpu.memref_squeeze %dma_start3A_134 : memref<1x8x128xf32, #tpu.memory_space<vmem>> -> memref<8x128xf32, #tpu.memory_space<vmem>>
      %dma_start3A_136 = tpu.memref_slice %arg2[%mul3A_55, %multiple_of3A_53] : memref<128x100000xf32, #tpu.memory_space<hbm>> -> memref<8x128xf32, #tpu.memory_space<hbm>>
      %dma_start3A_137 = arith.constant 0 : i32
      %dma_start3A_138 = arith.constant 0 : i32
      %dma_start3A_139 = tpu.memref_slice %arg4[%dma_start3A_131, %dma_start3A_137, %dma_start3A_138] : memref<15x8x128xf32, #tpu.memory_space<vmem>> -> memref<1x8x128xf32, #tpu.memory_space<vmem>>
      %dma_start3A_140 = tpu.memref_squeeze %dma_start3A_139 : memref<1x8x128xf32, #tpu.memory_space<vmem>> -> memref<8x128xf32, #tpu.memory_space<vmem>>
      %dma_start3A_141 = tpu.memref_slice %arg2[%mul3A_55, %multiple_of3A_53] : memref<128x100000xf32, #tpu.memory_space<hbm>> -> memref<8x128xf32, #tpu.memory_space<hbm>>
      tpu.enqueue_dma source(%dma_start3A_141 : memref<8x128xf32, #tpu.memory_space<hbm>>) target(%dma_start3A_140 : memref<8x128xf32, #tpu.memory_space<vmem>>) target_semaphore(%arg5 : memref<!tpu.dma_semaphore, #tpu.memory_space<semaphore_mem>>)
      %dma_start3A_142 = arith.constant 2 : i32
      %dma_start3A_143 = arith.constant 0 : i32
      %dma_start3A_144 = arith.constant 0 : i32
      %dma_start3A_145 = tpu.memref_slice %arg4[%dma_start3A_142, %dma_start3A_143, %dma_start3A_144] : memref<15x8x128xf32, #tpu.memory_space<vmem>> -> memref<1x8x128xf32, #tpu.memory_space<vmem>>
      %dma_start3A_146 = tpu.memref_squeeze %dma_start3A_145 : memref<1x8x128xf32, #tpu.memory_space<vmem>> -> memref<8x128xf32, #tpu.memory_space<vmem>>
      %dma_start3A_147 = tpu.memref_slice %arg2[%mul3A_60, %multiple_of3A_58] : memref<128x100000xf32, #tpu.memory_space<hbm>> -> memref<8x128xf32, #tpu.memory_space<hbm>>
      %dma_start3A_148 = arith.constant 0 : i32
      %dma_start3A_149 = arith.constant 0 : i32
      %dma_start3A_150 = tpu.memref_slice %arg4[%dma_start3A_142, %dma_start3A_148, %dma_start3A_149] : memref<15x8x128xf32, #tpu.memory_space<vmem>> -> memref<1x8x128xf32, #tpu.memory_space<vmem>>
      %dma_start3A_151 = tpu.memref_squeeze %dma_start3A_150 : memref<1x8x128xf32, #tpu.memory_space<vmem>> -> memref<8x128xf32, #tpu.memory_space<vmem>>
      %dma_start3A_152 = tpu.memref_slice %arg2[%mul3A_60, %multiple_of3A_58] : memref<128x100000xf32, #tpu.memory_space<hbm>> -> memref<8x128xf32, #tpu.memory_space<hbm>>
      tpu.enqueue_dma source(%dma_start3A_152 : memref<8x128xf32, #tpu.memory_space<hbm>>) target(%dma_start3A_151 : memref<8x128xf32, #tpu.memory_space<vmem>>) target_semaphore(%arg5 : memref<!tpu.dma_semaphore, #tpu.memory_space<semaphore_mem>>)
      %dma_start3A_153 = arith.constant 3 : i32
      %dma_start3A_154 = arith.constant 0 : i32
      %dma_start3A_155 = arith.constant 0 : i32
      %dma_start3A_156 = tpu.memref_slice %arg4[%dma_start3A_153, %dma_start3A_154, %dma_start3A_155] : memref<15x8x128xf32, #tpu.memory_space<vmem>> -> memref<1x8x128xf32, #tpu.memory_space<vmem>>
      %dma_start3A_157 = tpu.memref_squeeze %dma_start3A_156 : memref<1x8x128xf32, #tpu.memory_space<vmem>> -> memref<8x128xf32, #tpu.memory_space<vmem>>
      %dma_start3A_158 = tpu.memref_slice %arg2[%mul3A_65, %multiple_of3A_63] : memref<128x100000xf32, #tpu.memory_space<hbm>> -> memref<8x128xf32, #tpu.memory_space<hbm>>
      %dma_start3A_159 = arith.constant 0 : i32
      %dma_start3A_160 = arith.constant 0 : i32
      %dma_start3A_161 = tpu.memref_slice %arg4[%dma_start3A_153, %dma_start3A_159, %dma_start3A_160] : memref<15x8x128xf32, #tpu.memory_space<vmem>> -> memref<1x8x128xf32, #tpu.memory_space<vmem>>
      %dma_start3A_162 = tpu.memref_squeeze %dma_start3A_161 : memref<1x8x128xf32, #tpu.memory_space<vmem>> -> memref<8x128xf32, #tpu.memory_space<vmem>>
      %dma_start3A_163 = tpu.memref_slice %arg2[%mul3A_65, %multiple_of3A_63] : memref<128x100000xf32, #tpu.memory_space<hbm>> -> memref<8x128xf32, #tpu.memory_space<hbm>>
      tpu.enqueue_dma source(%dma_start3A_163 : memref<8x128xf32, #tpu.memory_space<hbm>>) target(%dma_start3A_162 : memref<8x128xf32, #tpu.memory_space<vmem>>) target_semaphore(%arg5 : memref<!tpu.dma_semaphore, #tpu.memory_space<semaphore_mem>>)
      %dma_start3A_164 = arith.constant 4 : i32
      %dma_start3A_165 = arith.constant 0 : i32
      %dma_start3A_166 = arith.constant 0 : i32
      %dma_start3A_167 = tpu.memref_slice %arg4[%dma_start3A_164, %dma_start3A_165, %dma_start3A_166] : memref<15x8x128xf32, #tpu.memory_space<vmem>> -> memref<1x8x128xf32, #tpu.memory_space<vmem>>
      %dma_start3A_168 = tpu.memref_squeeze %dma_start3A_167 : memref<1x8x128xf32, #tpu.memory_space<vmem>> -> memref<8x128xf32, #tpu.memory_space<vmem>>
      %dma_start3A_169 = tpu.memref_slice %arg2[%mul3A_70, %multiple_of3A_68] : memref<128x100000xf32, #tpu.memory_space<hbm>> -> memref<8x128xf32, #tpu.memory_space<hbm>>
      %dma_start3A_170 = arith.constant 0 : i32
      %dma_start3A_171 = arith.constant 0 : i32
      %dma_start3A_172 = tpu.memref_slice %arg4[%dma_start3A_164, %dma_start3A_170, %dma_start3A_171] : memref<15x8x128xf32, #tpu.memory_space<vmem>> -> memref<1x8x128xf32, #tpu.memory_space<vmem>>
      %dma_start3A_173 = tpu.memref_squeeze %dma_start3A_172 : memref<1x8x128xf32, #tpu.memory_space<vmem>> -> memref<8x128xf32, #tpu.memory_space<vmem>>
      %dma_start3A_174 = tpu.memref_slice %arg2[%mul3A_70, %multiple_of3A_68] : memref<128x100000xf32, #tpu.memory_space<hbm>> -> memref<8x128xf32, #tpu.memory_space<hbm>>
      tpu.enqueue_dma source(%dma_start3A_174 : memref<8x128xf32, #tpu.memory_space<hbm>>) target(%dma_start3A_173 : memref<8x128xf32, #tpu.memory_space<vmem>>) target_semaphore(%arg5 : memref<!tpu.dma_semaphore, #tpu.memory_space<semaphore_mem>>)
      %dma_start3A_175 = arith.constant 5 : i32
      %dma_start3A_176 = arith.constant 0 : i32
      %dma_start3A_177 = arith.constant 0 : i32
      %dma_start3A_178 = tpu.memref_slice %arg4[%dma_start3A_175, %dma_start3A_176, %dma_start3A_177] : memref<15x8x128xf32, #tpu.memory_space<vmem>> -> memref<1x8x128xf32, #tpu.memory_space<vmem>>
      %dma_start3A_179 = tpu.memref_squeeze %dma_start3A_178 : memref<1x8x128xf32, #tpu.memory_space<vmem>> -> memref<8x128xf32, #tpu.memory_space<vmem>>
      %dma_start3A_180 = tpu.memref_slice %arg2[%mul3A_75, %multiple_of3A_73] : memref<128x100000xf32, #tpu.memory_space<hbm>> -> memref<8x128xf32, #tpu.memory_space<hbm>>
      %dma_start3A_181 = arith.constant 0 : i32
      %dma_start3A_182 = arith.constant 0 : i32
      %dma_start3A_183 = tpu.memref_slice %arg4[%dma_start3A_175, %dma_start3A_181, %dma_start3A_182] : memref<15x8x128xf32, #tpu.memory_space<vmem>> -> memref<1x8x128xf32, #tpu.memory_space<vmem>>
      %dma_start3A_184 = tpu.memref_squeeze %dma_start3A_183 : memref<1x8x128xf32, #tpu.memory_space<vmem>> -> memref<8x128xf32, #tpu.memory_space<vmem>>
      %dma_start3A_185 = tpu.memref_slice %arg2[%mul3A_75, %multiple_of3A_73] : memref<128x100000xf32, #tpu.memory_space<hbm>> -> memref<8x128xf32, #tpu.memory_space<hbm>>
      tpu.enqueue_dma source(%dma_start3A_185 : memref<8x128xf32, #tpu.memory_space<hbm>>) target(%dma_start3A_184 : memref<8x128xf32, #tpu.memory_space<vmem>>) target_semaphore(%arg5 : memref<!tpu.dma_semaphore, #tpu.memory_space<semaphore_mem>>)
      %dma_start3A_186 = arith.constant 6 : i32
      %dma_start3A_187 = arith.constant 0 : i32
      %dma_start3A_188 = arith.constant 0 : i32
      %dma_start3A_189 = tpu.memref_slice %arg4[%dma_start3A_186, %dma_start3A_187, %dma_start3A_188] : memref<15x8x128xf32, #tpu.memory_space<vmem>> -> memref<1x8x128xf32, #tpu.memory_space<vmem>>
      %dma_start3A_190 = tpu.memref_squeeze %dma_start3A_189 : memref<1x8x128xf32, #tpu.memory_space<vmem>> -> memref<8x128xf32, #tpu.memory_space<vmem>>
      %dma_start3A_191 = tpu.memref_slice %arg2[%mul3A_80, %multiple_of3A_78] : memref<128x100000xf32, #tpu.memory_space<hbm>> -> memref<8x128xf32, #tpu.memory_space<hbm>>
      %dma_start3A_192 = arith.constant 0 : i32
      %dma_start3A_193 = arith.constant 0 : i32
      %dma_start3A_194 = tpu.memref_slice %arg4[%dma_start3A_186, %dma_start3A_192, %dma_start3A_193] : memref<15x8x128xf32, #tpu.memory_space<vmem>> -> memref<1x8x128xf32, #tpu.memory_space<vmem>>
      %dma_start3A_195 = tpu.memref_squeeze %dma_start3A_194 : memref<1x8x128xf32, #tpu.memory_space<vmem>> -> memref<8x128xf32, #tpu.memory_space<vmem>>
      %dma_start3A_196 = tpu.memref_slice %arg2[%mul3A_80, %multiple_of3A_78] : memref<128x100000xf32, #tpu.memory_space<hbm>> -> memref<8x128xf32, #tpu.memory_space<hbm>>
      tpu.enqueue_dma source(%dma_start3A_196 : memref<8x128xf32, #tpu.memory_space<hbm>>) target(%dma_start3A_195 : memref<8x128xf32, #tpu.memory_space<vmem>>) target_semaphore(%arg5 : memref<!tpu.dma_semaphore, #tpu.memory_space<semaphore_mem>>)
      %dma_start3A_197 = arith.constant 7 : i32
      %dma_start3A_198 = arith.constant 0 : i32
      %dma_start3A_199 = arith.constant 0 : i32
      %dma_start3A_200 = tpu.memref_slice %arg4[%dma_start3A_197, %dma_start3A_198, %dma_start3A_199] : memref<15x8x128xf32, #tpu.memory_space<vmem>> -> memref<1x8x128xf32, #tpu.memory_space<vmem>>
      %dma_start3A_201 = tpu.memref_squeeze %dma_start3A_200 : memref<1x8x128xf32, #tpu.memory_space<vmem>> -> memref<8x128xf32, #tpu.memory_space<vmem>>
      %dma_start3A_202 = tpu.memref_slice %arg2[%mul3A_85, %multiple_of3A_83] : memref<128x100000xf32, #tpu.memory_space<hbm>> -> memref<8x128xf32, #tpu.memory_space<hbm>>
      %dma_start3A_203 = arith.constant 0 : i32
      %dma_start3A_204 = arith.constant 0 : i32
      %dma_start3A_205 = tpu.memref_slice %arg4[%dma_start3A_197, %dma_start3A_203, %dma_start3A_204] : memref<15x8x128xf32, #tpu.memory_space<vmem>> -> memref<1x8x128xf32, #tpu.memory_space<vmem>>
      %dma_start3A_206 = tpu.memref_squeeze %dma_start3A_205 : memref<1x8x128xf32, #tpu.memory_space<vmem>> -> memref<8x128xf32, #tpu.memory_space<vmem>>
      %dma_start3A_207 = tpu.memref_slice %arg2[%mul3A_85, %multiple_of3A_83] : memref<128x100000xf32, #tpu.memory_space<hbm>> -> memref<8x128xf32, #tpu.memory_space<hbm>>
      tpu.enqueue_dma source(%dma_start3A_207 : memref<8x128xf32, #tpu.memory_space<hbm>>) target(%dma_start3A_206 : memref<8x128xf32, #tpu.memory_space<vmem>>) target_semaphore(%arg5 : memref<!tpu.dma_semaphore, #tpu.memory_space<semaphore_mem>>)
      %dma_start3A_208 = arith.constant 8 : i32
      %dma_start3A_209 = arith.constant 0 : i32
      %dma_start3A_210 = arith.constant 0 : i32
      %dma_start3A_211 = tpu.memref_slice %arg4[%dma_start3A_208, %dma_start3A_209, %dma_start3A_210] : memref<15x8x128xf32, #tpu.memory_space<vmem>> -> memref<1x8x128xf32, #tpu.memory_space<vmem>>
      %dma_start3A_212 = tpu.memref_squeeze %dma_start3A_211 : memref<1x8x128xf32, #tpu.memory_space<vmem>> -> memref<8x128xf32, #tpu.memory_space<vmem>>
      %dma_start3A_213 = tpu.memref_slice %arg2[%mul3A_90, %multiple_of3A_88] : memref<128x100000xf32, #tpu.memory_space<hbm>> -> memref<8x128xf32, #tpu.memory_space<hbm>>
      %dma_start3A_214 = arith.constant 0 : i32
      %dma_start3A_215 = arith.constant 0 : i32
      %dma_start3A_216 = tpu.memref_slice %arg4[%dma_start3A_208, %dma_start3A_214, %dma_start3A_215] : memref<15x8x128xf32, #tpu.memory_space<vmem>> -> memref<1x8x128xf32, #tpu.memory_space<vmem>>
      %dma_start3A_217 = tpu.memref_squeeze %dma_start3A_216 : memref<1x8x128xf32, #tpu.memory_space<vmem>> -> memref<8x128xf32, #tpu.memory_space<vmem>>
      %dma_start3A_218 = tpu.memref_slice %arg2[%mul3A_90, %multiple_of3A_88] : memref<128x100000xf32, #tpu.memory_space<hbm>> -> memref<8x128xf32, #tpu.memory_space<hbm>>
      tpu.enqueue_dma source(%dma_start3A_218 : memref<8x128xf32, #tpu.memory_space<hbm>>) target(%dma_start3A_217 : memref<8x128xf32, #tpu.memory_space<vmem>>) target_semaphore(%arg5 : memref<!tpu.dma_semaphore, #tpu.memory_space<semaphore_mem>>)
      %dma_start3A_219 = arith.constant 9 : i32
      %dma_start3A_220 = arith.constant 0 : i32
      %dma_start3A_221 = arith.constant 0 : i32
      %dma_start3A_222 = tpu.memref_slice %arg4[%dma_start3A_219, %dma_start3A_220, %dma_start3A_221] : memref<15x8x128xf32, #tpu.memory_space<vmem>> -> memref<1x8x128xf32, #tpu.memory_space<vmem>>
      %dma_start3A_223 = tpu.memref_squeeze %dma_start3A_222 : memref<1x8x128xf32, #tpu.memory_space<vmem>> -> memref<8x128xf32, #tpu.memory_space<vmem>>
      %dma_start3A_224 = tpu.memref_slice %arg2[%mul3A_95, %multiple_of3A_93] : memref<128x100000xf32, #tpu.memory_space<hbm>> -> memref<8x128xf32, #tpu.memory_space<hbm>>
      %dma_start3A_225 = arith.constant 0 : i32
      %dma_start3A_226 = arith.constant 0 : i32
      %dma_start3A_227 = tpu.memref_slice %arg4[%dma_start3A_219, %dma_start3A_225, %dma_start3A_226] : memref<15x8x128xf32, #tpu.memory_space<vmem>> -> memref<1x8x128xf32, #tpu.memory_space<vmem>>
      %dma_start3A_228 = tpu.memref_squeeze %dma_start3A_227 : memref<1x8x128xf32, #tpu.memory_space<vmem>> -> memref<8x128xf32, #tpu.memory_space<vmem>>
      %dma_start3A_229 = tpu.memref_slice %arg2[%mul3A_95, %multiple_of3A_93] : memref<128x100000xf32, #tpu.memory_space<hbm>> -> memref<8x128xf32, #tpu.memory_space<hbm>>
      tpu.enqueue_dma source(%dma_start3A_229 : memref<8x128xf32, #tpu.memory_space<hbm>>) target(%dma_start3A_228 : memref<8x128xf32, #tpu.memory_space<vmem>>) target_semaphore(%arg5 : memref<!tpu.dma_semaphore, #tpu.memory_space<semaphore_mem>>)
      %dma_start3A_230 = arith.constant 10 : i32
      %dma_start3A_231 = arith.constant 0 : i32
      %dma_start3A_232 = arith.constant 0 : i32
      %dma_start3A_233 = tpu.memref_slice %arg4[%dma_start3A_230, %dma_start3A_231, %dma_start3A_232] : memref<15x8x128xf32, #tpu.memory_space<vmem>> -> memref<1x8x128xf32, #tpu.memory_space<vmem>>
      %dma_start3A_234 = tpu.memref_squeeze %dma_start3A_233 : memref<1x8x128xf32, #tpu.memory_space<vmem>> -> memref<8x128xf32, #tpu.memory_space<vmem>>
      %dma_start3A_235 = tpu.memref_slice %arg2[%mul3A_100, %multiple_of3A_98] : memref<128x100000xf32, #tpu.memory_space<hbm>> -> memref<8x128xf32, #tpu.memory_space<hbm>>
      %dma_start3A_236 = arith.constant 0 : i32
      %dma_start3A_237 = arith.constant 0 : i32
      %dma_start3A_238 = tpu.memref_slice %arg4[%dma_start3A_230, %dma_start3A_236, %dma_start3A_237] : memref<15x8x128xf32, #tpu.memory_space<vmem>> -> memref<1x8x128xf32, #tpu.memory_space<vmem>>
      %dma_start3A_239 = tpu.memref_squeeze %dma_start3A_238 : memref<1x8x128xf32, #tpu.memory_space<vmem>> -> memref<8x128xf32, #tpu.memory_space<vmem>>
      %dma_start3A_240 = tpu.memref_slice %arg2[%mul3A_100, %multiple_of3A_98] : memref<128x100000xf32, #tpu.memory_space<hbm>> -> memref<8x128xf32, #tpu.memory_space<hbm>>
      tpu.enqueue_dma source(%dma_start3A_240 : memref<8x128xf32, #tpu.memory_space<hbm>>) target(%dma_start3A_239 : memref<8x128xf32, #tpu.memory_space<vmem>>) target_semaphore(%arg5 : memref<!tpu.dma_semaphore, #tpu.memory_space<semaphore_mem>>)
      %dma_start3A_241 = arith.constant 11 : i32
      %dma_start3A_242 = arith.constant 0 : i32
      %dma_start3A_243 = arith.constant 0 : i32
      %dma_start3A_244 = tpu.memref_slice %arg4[%dma_start3A_241, %dma_start3A_242, %dma_start3A_243] : memref<15x8x128xf32, #tpu.memory_space<vmem>> -> memref<1x8x128xf32, #tpu.memory_space<vmem>>
      %dma_start3A_245 = tpu.memref_squeeze %dma_start3A_244 : memref<1x8x128xf32, #tpu.memory_space<vmem>> -> memref<8x128xf32, #tpu.memory_space<vmem>>
      %dma_start3A_246 = tpu.memref_slice %arg2[%mul3A_105, %multiple_of3A_103] : memref<128x100000xf32, #tpu.memory_space<hbm>> -> memref<8x128xf32, #tpu.memory_space<hbm>>
      %dma_start3A_247 = arith.constant 0 : i32
      %dma_start3A_248 = arith.constant 0 : i32
      %dma_start3A_249 = tpu.memref_slice %arg4[%dma_start3A_241, %dma_start3A_247, %dma_start3A_248] : memref<15x8x128xf32, #tpu.memory_space<vmem>> -> memref<1x8x128xf32, #tpu.memory_space<vmem>>
      %dma_start3A_250 = tpu.memref_squeeze %dma_start3A_249 : memref<1x8x128xf32, #tpu.memory_space<vmem>> -> memref<8x128xf32, #tpu.memory_space<vmem>>
      %dma_start3A_251 = tpu.memref_slice %arg2[%mul3A_105, %multiple_of3A_103] : memref<128x100000xf32, #tpu.memory_space<hbm>> -> memref<8x128xf32, #tpu.memory_space<hbm>>
      tpu.enqueue_dma source(%dma_start3A_251 : memref<8x128xf32, #tpu.memory_space<hbm>>) target(%dma_start3A_250 : memref<8x128xf32, #tpu.memory_space<vmem>>) target_semaphore(%arg5 : memref<!tpu.dma_semaphore, #tpu.memory_space<semaphore_mem>>)
      %dma_start3A_252 = arith.constant 12 : i32
      %dma_start3A_253 = arith.constant 0 : i32
      %dma_start3A_254 = arith.constant 0 : i32
      %dma_start3A_255 = tpu.memref_slice %arg4[%dma_start3A_252, %dma_start3A_253, %dma_start3A_254] : memref<15x8x128xf32, #tpu.memory_space<vmem>> -> memref<1x8x128xf32, #tpu.memory_space<vmem>>
      %dma_start3A_256 = tpu.memref_squeeze %dma_start3A_255 : memref<1x8x128xf32, #tpu.memory_space<vmem>> -> memref<8x128xf32, #tpu.memory_space<vmem>>
      %dma_start3A_257 = tpu.memref_slice %arg2[%mul3A_110, %multiple_of3A_108] : memref<128x100000xf32, #tpu.memory_space<hbm>> -> memref<8x128xf32, #tpu.memory_space<hbm>>
      %dma_start3A_258 = arith.constant 0 : i32
      %dma_start3A_259 = arith.constant 0 : i32
      %dma_start3A_260 = tpu.memref_slice %arg4[%dma_start3A_252, %dma_start3A_258, %dma_start3A_259] : memref<15x8x128xf32, #tpu.memory_space<vmem>> -> memref<1x8x128xf32, #tpu.memory_space<vmem>>
      %dma_start3A_261 = tpu.memref_squeeze %dma_start3A_260 : memref<1x8x128xf32, #tpu.memory_space<vmem>> -> memref<8x128xf32, #tpu.memory_space<vmem>>
      %dma_start3A_262 = tpu.memref_slice %arg2[%mul3A_110, %multiple_of3A_108] : memref<128x100000xf32, #tpu.memory_space<hbm>> -> memref<8x128xf32, #tpu.memory_space<hbm>>
      tpu.enqueue_dma source(%dma_start3A_262 : memref<8x128xf32, #tpu.memory_space<hbm>>) target(%dma_start3A_261 : memref<8x128xf32, #tpu.memory_space<vmem>>) target_semaphore(%arg5 : memref<!tpu.dma_semaphore, #tpu.memory_space<semaphore_mem>>)
      %dma_start3A_263 = arith.constant 13 : i32
      %dma_start3A_264 = arith.constant 0 : i32
      %dma_start3A_265 = arith.constant 0 : i32
      %dma_start3A_266 = tpu.memref_slice %arg4[%dma_start3A_263, %dma_start3A_264, %dma_start3A_265] : memref<15x8x128xf32, #tpu.memory_space<vmem>> -> memref<1x8x128xf32, #tpu.memory_space<vmem>>
      %dma_start3A_267 = tpu.memref_squeeze %dma_start3A_266 : memref<1x8x128xf32, #tpu.memory_space<vmem>> -> memref<8x128xf32, #tpu.memory_space<vmem>>
      %dma_start3A_268 = tpu.memref_slice %arg2[%mul3A_115, %multiple_of3A_113] : memref<128x100000xf32, #tpu.memory_space<hbm>> -> memref<8x128xf32, #tpu.memory_space<hbm>>
      %dma_start3A_269 = arith.constant 0 : i32
      %dma_start3A_270 = arith.constant 0 : i32
      %dma_start3A_271 = tpu.memref_slice %arg4[%dma_start3A_263, %dma_start3A_269, %dma_start3A_270] : memref<15x8x128xf32, #tpu.memory_space<vmem>> -> memref<1x8x128xf32, #tpu.memory_space<vmem>>
      %dma_start3A_272 = tpu.memref_squeeze %dma_start3A_271 : memref<1x8x128xf32, #tpu.memory_space<vmem>> -> memref<8x128xf32, #tpu.memory_space<vmem>>
      %dma_start3A_273 = tpu.memref_slice %arg2[%mul3A_115, %multiple_of3A_113] : memref<128x100000xf32, #tpu.memory_space<hbm>> -> memref<8x128xf32, #tpu.memory_space<hbm>>
      tpu.enqueue_dma source(%dma_start3A_273 : memref<8x128xf32, #tpu.memory_space<hbm>>) target(%dma_start3A_272 : memref<8x128xf32, #tpu.memory_space<vmem>>) target_semaphore(%arg5 : memref<!tpu.dma_semaphore, #tpu.memory_space<semaphore_mem>>)
      %dma_start3A_274 = arith.constant 14 : i32
      %dma_start3A_275 = arith.constant 0 : i32
      %dma_start3A_276 = arith.constant 0 : i32
      %dma_start3A_277 = tpu.memref_slice %arg4[%dma_start3A_274, %dma_start3A_275, %dma_start3A_276] : memref<15x8x128xf32, #tpu.memory_space<vmem>> -> memref<1x8x128xf32, #tpu.memory_space<vmem>>
      %dma_start3A_278 = tpu.memref_squeeze %dma_start3A_277 : memref<1x8x128xf32, #tpu.memory_space<vmem>> -> memref<8x128xf32, #tpu.memory_space<vmem>>
      %dma_start3A_279 = tpu.memref_slice %arg2[%mul3A_120, %multiple_of3A_118] : memref<128x100000xf32, #tpu.memory_space<hbm>> -> memref<8x128xf32, #tpu.memory_space<hbm>>
      %dma_start3A_280 = arith.constant 0 : i32
      %dma_start3A_281 = arith.constant 0 : i32
      %dma_start3A_282 = tpu.memref_slice %arg4[%dma_start3A_274, %dma_start3A_280, %dma_start3A_281] : memref<15x8x128xf32, #tpu.memory_space<vmem>> -> memref<1x8x128xf32, #tpu.memory_space<vmem>>
      %dma_start3A_283 = tpu.memref_squeeze %dma_start3A_282 : memref<1x8x128xf32, #tpu.memory_space<vmem>> -> memref<8x128xf32, #tpu.memory_space<vmem>>
      %dma_start3A_284 = tpu.memref_slice %arg2[%mul3A_120, %multiple_of3A_118] : memref<128x100000xf32, #tpu.memory_space<hbm>> -> memref<8x128xf32, #tpu.memory_space<hbm>>
      tpu.enqueue_dma source(%dma_start3A_284 : memref<8x128xf32, #tpu.memory_space<hbm>>) target(%dma_start3A_283 : memref<8x128xf32, #tpu.memory_space<vmem>>) target_semaphore(%arg5 : memref<!tpu.dma_semaphore, #tpu.memory_space<semaphore_mem>>)
      %dma_wait3A = arith.constant 0 : i32
      %dma_wait3A_285 = arith.constant 0 : i32
      %dma_wait3A_286 = arith.constant 0 : i32
      %dma_wait3A_287 = tpu.memref_slice %arg4[%dma_wait3A, %dma_wait3A_285, %dma_wait3A_286] : memref<15x8x128xf32, #tpu.memory_space<vmem>> -> memref<1x8x128xf32, #tpu.memory_space<vmem>>
      %dma_wait3A_288 = tpu.memref_squeeze %dma_wait3A_287 : memref<1x8x128xf32, #tpu.memory_space<vmem>> -> memref<8x128xf32, #tpu.memory_space<vmem>>
      %dma_wait3A_289 = tpu.memref_slice %arg2[%mul3A_50, %multiple_of3A] : memref<128x100000xf32, #tpu.memory_space<hbm>> -> memref<8x128xf32, #tpu.memory_space<hbm>>
      %dma_wait3A_290 = arith.constant 0 : i32
      %dma_wait3A_291 = arith.constant 0 : i32
      %dma_wait3A_292 = tpu.memref_slice %arg4[%dma_wait3A, %dma_wait3A_290, %dma_wait3A_291] : memref<15x8x128xf32, #tpu.memory_space<vmem>> -> memref<1x8x128xf32, #tpu.memory_space<vmem>>
      %dma_wait3A_293 = tpu.memref_squeeze %dma_wait3A_292 : memref<1x8x128xf32, #tpu.memory_space<vmem>> -> memref<8x128xf32, #tpu.memory_space<vmem>>
      %dma_wait3A_294 = tpu.memref_slice %arg2[%mul3A_50, %multiple_of3A] : memref<128x100000xf32, #tpu.memory_space<hbm>> -> memref<8x128xf32, #tpu.memory_space<hbm>>
      tpu.wait_dma2 semaphore(%arg5 : memref<!tpu.dma_semaphore, #tpu.memory_space<semaphore_mem>>) src(%dma_wait3A_294 : memref<8x128xf32, #tpu.memory_space<hbm>>) dst(%dma_wait3A_293 : memref<8x128xf32, #tpu.memory_space<vmem>>)
      %dma_wait3A_295 = arith.constant 1 : i32
      %dma_wait3A_296 = arith.constant 0 : i32
      %dma_wait3A_297 = arith.constant 0 : i32
      %dma_wait3A_298 = tpu.memref_slice %arg4[%dma_wait3A_295, %dma_wait3A_296, %dma_wait3A_297] : memref<15x8x128xf32, #tpu.memory_space<vmem>> -> memref<1x8x128xf32, #tpu.memory_space<vmem>>
      %dma_wait3A_299 = tpu.memref_squeeze %dma_wait3A_298 : memref<1x8x128xf32, #tpu.memory_space<vmem>> -> memref<8x128xf32, #tpu.memory_space<vmem>>
      %dma_wait3A_300 = tpu.memref_slice %arg2[%mul3A_55, %multiple_of3A_53] : memref<128x100000xf32, #tpu.memory_space<hbm>> -> memref<8x128xf32, #tpu.memory_space<hbm>>
      %dma_wait3A_301 = arith.constant 0 : i32
      %dma_wait3A_302 = arith.constant 0 : i32
      %dma_wait3A_303 = tpu.memref_slice %arg4[%dma_wait3A_295, %dma_wait3A_301, %dma_wait3A_302] : memref<15x8x128xf32, #tpu.memory_space<vmem>> -> memref<1x8x128xf32, #tpu.memory_space<vmem>>
      %dma_wait3A_304 = tpu.memref_squeeze %dma_wait3A_303 : memref<1x8x128xf32, #tpu.memory_space<vmem>> -> memref<8x128xf32, #tpu.memory_space<vmem>>
      %dma_wait3A_305 = tpu.memref_slice %arg2[%mul3A_55, %multiple_of3A_53] : memref<128x100000xf32, #tpu.memory_space<hbm>> -> memref<8x128xf32, #tpu.memory_space<hbm>>
      tpu.wait_dma2 semaphore(%arg5 : memref<!tpu.dma_semaphore, #tpu.memory_space<semaphore_mem>>) src(%dma_wait3A_305 : memref<8x128xf32, #tpu.memory_space<hbm>>) dst(%dma_wait3A_304 : memref<8x128xf32, #tpu.memory_space<vmem>>)
      %dma_wait3A_306 = arith.constant 2 : i32
      %dma_wait3A_307 = arith.constant 0 : i32
      %dma_wait3A_308 = arith.constant 0 : i32
      %dma_wait3A_309 = tpu.memref_slice %arg4[%dma_wait3A_306, %dma_wait3A_307, %dma_wait3A_308] : memref<15x8x128xf32, #tpu.memory_space<vmem>> -> memref<1x8x128xf32, #tpu.memory_space<vmem>>
      %dma_wait3A_310 = tpu.memref_squeeze %dma_wait3A_309 : memref<1x8x128xf32, #tpu.memory_space<vmem>> -> memref<8x128xf32, #tpu.memory_space<vmem>>
      %dma_wait3A_311 = tpu.memref_slice %arg2[%mul3A_60, %multiple_of3A_58] : memref<128x100000xf32, #tpu.memory_space<hbm>> -> memref<8x128xf32, #tpu.memory_space<hbm>>
      %dma_wait3A_312 = arith.constant 0 : i32
      %dma_wait3A_313 = arith.constant 0 : i32
      %dma_wait3A_314 = tpu.memref_slice %arg4[%dma_wait3A_306, %dma_wait3A_312, %dma_wait3A_313] : memref<15x8x128xf32, #tpu.memory_space<vmem>> -> memref<1x8x128xf32, #tpu.memory_space<vmem>>
      %dma_wait3A_315 = tpu.memref_squeeze %dma_wait3A_314 : memref<1x8x128xf32, #tpu.memory_space<vmem>> -> memref<8x128xf32, #tpu.memory_space<vmem>>
      %dma_wait3A_316 = tpu.memref_slice %arg2[%mul3A_60, %multiple_of3A_58] : memref<128x100000xf32, #tpu.memory_space<hbm>> -> memref<8x128xf32, #tpu.memory_space<hbm>>
      tpu.wait_dma2 semaphore(%arg5 : memref<!tpu.dma_semaphore, #tpu.memory_space<semaphore_mem>>) src(%dma_wait3A_316 : memref<8x128xf32, #tpu.memory_space<hbm>>) dst(%dma_wait3A_315 : memref<8x128xf32, #tpu.memory_space<vmem>>)
      %dma_wait3A_317 = arith.constant 3 : i32
      %dma_wait3A_318 = arith.constant 0 : i32
      %dma_wait3A_319 = arith.constant 0 : i32
      %dma_wait3A_320 = tpu.memref_slice %arg4[%dma_wait3A_317, %dma_wait3A_318, %dma_wait3A_319] : memref<15x8x128xf32, #tpu.memory_space<vmem>> -> memref<1x8x128xf32, #tpu.memory_space<vmem>>
      %dma_wait3A_321 = tpu.memref_squeeze %dma_wait3A_320 : memref<1x8x128xf32, #tpu.memory_space<vmem>> -> memref<8x128xf32, #tpu.memory_space<vmem>>
      %dma_wait3A_322 = tpu.memref_slice %arg2[%mul3A_65, %multiple_of3A_63] : memref<128x100000xf32, #tpu.memory_space<hbm>> -> memref<8x128xf32, #tpu.memory_space<hbm>>
      %dma_wait3A_323 = arith.constant 0 : i32
      %dma_wait3A_324 = arith.constant 0 : i32
      %dma_wait3A_325 = tpu.memref_slice %arg4[%dma_wait3A_317, %dma_wait3A_323, %dma_wait3A_324] : memref<15x8x128xf32, #tpu.memory_space<vmem>> -> memref<1x8x128xf32, #tpu.memory_space<vmem>>
      %dma_wait3A_326 = tpu.memref_squeeze %dma_wait3A_325 : memref<1x8x128xf32, #tpu.memory_space<vmem>> -> memref<8x128xf32, #tpu.memory_space<vmem>>
      %dma_wait3A_327 = tpu.memref_slice %arg2[%mul3A_65, %multiple_of3A_63] : memref<128x100000xf32, #tpu.memory_space<hbm>> -> memref<8x128xf32, #tpu.memory_space<hbm>>
      tpu.wait_dma2 semaphore(%arg5 : memref<!tpu.dma_semaphore, #tpu.memory_space<semaphore_mem>>) src(%dma_wait3A_327 : memref<8x128xf32, #tpu.memory_space<hbm>>) dst(%dma_wait3A_326 : memref<8x128xf32, #tpu.memory_space<vmem>>)
      %dma_wait3A_328 = arith.constant 4 : i32
      %dma_wait3A_329 = arith.constant 0 : i32
      %dma_wait3A_330 = arith.constant 0 : i32
      %dma_wait3A_331 = tpu.memref_slice %arg4[%dma_wait3A_328, %dma_wait3A_329, %dma_wait3A_330] : memref<15x8x128xf32, #tpu.memory_space<vmem>> -> memref<1x8x128xf32, #tpu.memory_space<vmem>>
      %dma_wait3A_332 = tpu.memref_squeeze %dma_wait3A_331 : memref<1x8x128xf32, #tpu.memory_space<vmem>> -> memref<8x128xf32, #tpu.memory_space<vmem>>
      %dma_wait3A_333 = tpu.memref_slice %arg2[%mul3A_70, %multiple_of3A_68] : memref<128x100000xf32, #tpu.memory_space<hbm>> -> memref<8x128xf32, #tpu.memory_space<hbm>>
      %dma_wait3A_334 = arith.constant 0 : i32
      %dma_wait3A_335 = arith.constant 0 : i32
      %dma_wait3A_336 = tpu.memref_slice %arg4[%dma_wait3A_328, %dma_wait3A_334, %dma_wait3A_335] : memref<15x8x128xf32, #tpu.memory_space<vmem>> -> memref<1x8x128xf32, #tpu.memory_space<vmem>>
      %dma_wait3A_337 = tpu.memref_squeeze %dma_wait3A_336 : memref<1x8x128xf32, #tpu.memory_space<vmem>> -> memref<8x128xf32, #tpu.memory_space<vmem>>
      %dma_wait3A_338 = tpu.memref_slice %arg2[%mul3A_70, %multiple_of3A_68] : memref<128x100000xf32, #tpu.memory_space<hbm>> -> memref<8x128xf32, #tpu.memory_space<hbm>>
      tpu.wait_dma2 semaphore(%arg5 : memref<!tpu.dma_semaphore, #tpu.memory_space<semaphore_mem>>) src(%dma_wait3A_338 : memref<8x128xf32, #tpu.memory_space<hbm>>) dst(%dma_wait3A_337 : memref<8x128xf32, #tpu.memory_space<vmem>>)
      %dma_wait3A_339 = arith.constant 5 : i32
      %dma_wait3A_340 = arith.constant 0 : i32
      %dma_wait3A_341 = arith.constant 0 : i32
      %dma_wait3A_342 = tpu.memref_slice %arg4[%dma_wait3A_339, %dma_wait3A_340, %dma_wait3A_341] : memref<15x8x128xf32, #tpu.memory_space<vmem>> -> memref<1x8x128xf32, #tpu.memory_space<vmem>>
      %dma_wait3A_343 = tpu.memref_squeeze %dma_wait3A_342 : memref<1x8x128xf32, #tpu.memory_space<vmem>> -> memref<8x128xf32, #tpu.memory_space<vmem>>
      %dma_wait3A_344 = tpu.memref_slice %arg2[%mul3A_75, %multiple_of3A_73] : memref<128x100000xf32, #tpu.memory_space<hbm>> -> memref<8x128xf32, #tpu.memory_space<hbm>>
      %dma_wait3A_345 = arith.constant 0 : i32
      %dma_wait3A_346 = arith.constant 0 : i32
      %dma_wait3A_347 = tpu.memref_slice %arg4[%dma_wait3A_339, %dma_wait3A_345, %dma_wait3A_346] : memref<15x8x128xf32, #tpu.memory_space<vmem>> -> memref<1x8x128xf32, #tpu.memory_space<vmem>>
      %dma_wait3A_348 = tpu.memref_squeeze %dma_wait3A_347 : memref<1x8x128xf32, #tpu.memory_space<vmem>> -> memref<8x128xf32, #tpu.memory_space<vmem>>
      %dma_wait3A_349 = tpu.memref_slice %arg2[%mul3A_75, %multiple_of3A_73] : memref<128x100000xf32, #tpu.memory_space<hbm>> -> memref<8x128xf32, #tpu.memory_space<hbm>>
      tpu.wait_dma2 semaphore(%arg5 : memref<!tpu.dma_semaphore, #tpu.memory_space<semaphore_mem>>) src(%dma_wait3A_349 : memref<8x128xf32, #tpu.memory_space<hbm>>) dst(%dma_wait3A_348 : memref<8x128xf32, #tpu.memory_space<vmem>>)
      %dma_wait3A_350 = arith.constant 6 : i32
      %dma_wait3A_351 = arith.constant 0 : i32
      %dma_wait3A_352 = arith.constant 0 : i32
      %dma_wait3A_353 = tpu.memref_slice %arg4[%dma_wait3A_350, %dma_wait3A_351, %dma_wait3A_352] : memref<15x8x128xf32, #tpu.memory_space<vmem>> -> memref<1x8x128xf32, #tpu.memory_space<vmem>>
      %dma_wait3A_354 = tpu.memref_squeeze %dma_wait3A_353 : memref<1x8x128xf32, #tpu.memory_space<vmem>> -> memref<8x128xf32, #tpu.memory_space<vmem>>
      %dma_wait3A_355 = tpu.memref_slice %arg2[%mul3A_80, %multiple_of3A_78] : memref<128x100000xf32, #tpu.memory_space<hbm>> -> memref<8x128xf32, #tpu.memory_space<hbm>>
      %dma_wait3A_356 = arith.constant 0 : i32
      %dma_wait3A_357 = arith.constant 0 : i32
      %dma_wait3A_358 = tpu.memref_slice %arg4[%dma_wait3A_350, %dma_wait3A_356, %dma_wait3A_357] : memref<15x8x128xf32, #tpu.memory_space<vmem>> -> memref<1x8x128xf32, #tpu.memory_space<vmem>>
      %dma_wait3A_359 = tpu.memref_squeeze %dma_wait3A_358 : memref<1x8x128xf32, #tpu.memory_space<vmem>> -> memref<8x128xf32, #tpu.memory_space<vmem>>
      %dma_wait3A_360 = tpu.memref_slice %arg2[%mul3A_80, %multiple_of3A_78] : memref<128x100000xf32, #tpu.memory_space<hbm>> -> memref<8x128xf32, #tpu.memory_space<hbm>>
      tpu.wait_dma2 semaphore(%arg5 : memref<!tpu.dma_semaphore, #tpu.memory_space<semaphore_mem>>) src(%dma_wait3A_360 : memref<8x128xf32, #tpu.memory_space<hbm>>) dst(%dma_wait3A_359 : memref<8x128xf32, #tpu.memory_space<vmem>>)
      %dma_wait3A_361 = arith.constant 7 : i32
      %dma_wait3A_362 = arith.constant 0 : i32
      %dma_wait3A_363 = arith.constant 0 : i32
      %dma_wait3A_364 = tpu.memref_slice %arg4[%dma_wait3A_361, %dma_wait3A_362, %dma_wait3A_363] : memref<15x8x128xf32, #tpu.memory_space<vmem>> -> memref<1x8x128xf32, #tpu.memory_space<vmem>>
      %dma_wait3A_365 = tpu.memref_squeeze %dma_wait3A_364 : memref<1x8x128xf32, #tpu.memory_space<vmem>> -> memref<8x128xf32, #tpu.memory_space<vmem>>
      %dma_wait3A_366 = tpu.memref_slice %arg2[%mul3A_85, %multiple_of3A_83] : memref<128x100000xf32, #tpu.memory_space<hbm>> -> memref<8x128xf32, #tpu.memory_space<hbm>>
      %dma_wait3A_367 = arith.constant 0 : i32
      %dma_wait3A_368 = arith.constant 0 : i32
      %dma_wait3A_369 = tpu.memref_slice %arg4[%dma_wait3A_361, %dma_wait3A_367, %dma_wait3A_368] : memref<15x8x128xf32, #tpu.memory_space<vmem>> -> memref<1x8x128xf32, #tpu.memory_space<vmem>>
      %dma_wait3A_370 = tpu.memref_squeeze %dma_wait3A_369 : memref<1x8x128xf32, #tpu.memory_space<vmem>> -> memref<8x128xf32, #tpu.memory_space<vmem>>
      %dma_wait3A_371 = tpu.memref_slice %arg2[%mul3A_85, %multiple_of3A_83] : memref<128x100000xf32, #tpu.memory_space<hbm>> -> memref<8x128xf32, #tpu.memory_space<hbm>>
      tpu.wait_dma2 semaphore(%arg5 : memref<!tpu.dma_semaphore, #tpu.memory_space<semaphore_mem>>) src(%dma_wait3A_371 : memref<8x128xf32, #tpu.memory_space<hbm>>) dst(%dma_wait3A_370 : memref<8x128xf32, #tpu.memory_space<vmem>>)
      %dma_wait3A_372 = arith.constant 8 : i32
      %dma_wait3A_373 = arith.constant 0 : i32
      %dma_wait3A_374 = arith.constant 0 : i32
      %dma_wait3A_375 = tpu.memref_slice %arg4[%dma_wait3A_372, %dma_wait3A_373, %dma_wait3A_374] : memref<15x8x128xf32, #tpu.memory_space<vmem>> -> memref<1x8x128xf32, #tpu.memory_space<vmem>>
      %dma_wait3A_376 = tpu.memref_squeeze %dma_wait3A_375 : memref<1x8x128xf32, #tpu.memory_space<vmem>> -> memref<8x128xf32, #tpu.memory_space<vmem>>
      %dma_wait3A_377 = tpu.memref_slice %arg2[%mul3A_90, %multiple_of3A_88] : memref<128x100000xf32, #tpu.memory_space<hbm>> -> memref<8x128xf32, #tpu.memory_space<hbm>>
      %dma_wait3A_378 = arith.constant 0 : i32
      %dma_wait3A_379 = arith.constant 0 : i32
      %dma_wait3A_380 = tpu.memref_slice %arg4[%dma_wait3A_372, %dma_wait3A_378, %dma_wait3A_379] : memref<15x8x128xf32, #tpu.memory_space<vmem>> -> memref<1x8x128xf32, #tpu.memory_space<vmem>>
      %dma_wait3A_381 = tpu.memref_squeeze %dma_wait3A_380 : memref<1x8x128xf32, #tpu.memory_space<vmem>> -> memref<8x128xf32, #tpu.memory_space<vmem>>
      %dma_wait3A_382 = tpu.memref_slice %arg2[%mul3A_90, %multiple_of3A_88] : memref<128x100000xf32, #tpu.memory_space<hbm>> -> memref<8x128xf32, #tpu.memory_space<hbm>>
      tpu.wait_dma2 semaphore(%arg5 : memref<!tpu.dma_semaphore, #tpu.memory_space<semaphore_mem>>) src(%dma_wait3A_382 : memref<8x128xf32, #tpu.memory_space<hbm>>) dst(%dma_wait3A_381 : memref<8x128xf32, #tpu.memory_space<vmem>>)
      %dma_wait3A_383 = arith.constant 9 : i32
      %dma_wait3A_384 = arith.constant 0 : i32
      %dma_wait3A_385 = arith.constant 0 : i32
      %dma_wait3A_386 = tpu.memref_slice %arg4[%dma_wait3A_383, %dma_wait3A_384, %dma_wait3A_385] : memref<15x8x128xf32, #tpu.memory_space<vmem>> -> memref<1x8x128xf32, #tpu.memory_space<vmem>>
      %dma_wait3A_387 = tpu.memref_squeeze %dma_wait3A_386 : memref<1x8x128xf32, #tpu.memory_space<vmem>> -> memref<8x128xf32, #tpu.memory_space<vmem>>
      %dma_wait3A_388 = tpu.memref_slice %arg2[%mul3A_95, %multiple_of3A_93] : memref<128x100000xf32, #tpu.memory_space<hbm>> -> memref<8x128xf32, #tpu.memory_space<hbm>>
      %dma_wait3A_389 = arith.constant 0 : i32
      %dma_wait3A_390 = arith.constant 0 : i32
      %dma_wait3A_391 = tpu.memref_slice %arg4[%dma_wait3A_383, %dma_wait3A_389, %dma_wait3A_390] : memref<15x8x128xf32, #tpu.memory_space<vmem>> -> memref<1x8x128xf32, #tpu.memory_space<vmem>>
      %dma_wait3A_392 = tpu.memref_squeeze %dma_wait3A_391 : memref<1x8x128xf32, #tpu.memory_space<vmem>> -> memref<8x128xf32, #tpu.memory_space<vmem>>
      %dma_wait3A_393 = tpu.memref_slice %arg2[%mul3A_95, %multiple_of3A_93] : memref<128x100000xf32, #tpu.memory_space<hbm>> -> memref<8x128xf32, #tpu.memory_space<hbm>>
      tpu.wait_dma2 semaphore(%arg5 : memref<!tpu.dma_semaphore, #tpu.memory_space<semaphore_mem>>) src(%dma_wait3A_393 : memref<8x128xf32, #tpu.memory_space<hbm>>) dst(%dma_wait3A_392 : memref<8x128xf32, #tpu.memory_space<vmem>>)
      %dma_wait3A_394 = arith.constant 10 : i32
      %dma_wait3A_395 = arith.constant 0 : i32
      %dma_wait3A_396 = arith.constant 0 : i32
      %dma_wait3A_397 = tpu.memref_slice %arg4[%dma_wait3A_394, %dma_wait3A_395, %dma_wait3A_396] : memref<15x8x128xf32, #tpu.memory_space<vmem>> -> memref<1x8x128xf32, #tpu.memory_space<vmem>>
      %dma_wait3A_398 = tpu.memref_squeeze %dma_wait3A_397 : memref<1x8x128xf32, #tpu.memory_space<vmem>> -> memref<8x128xf32, #tpu.memory_space<vmem>>
      %dma_wait3A_399 = tpu.memref_slice %arg2[%mul3A_100, %multiple_of3A_98] : memref<128x100000xf32, #tpu.memory_space<hbm>> -> memref<8x128xf32, #tpu.memory_space<hbm>>
      %dma_wait3A_400 = arith.constant 0 : i32
      %dma_wait3A_401 = arith.constant 0 : i32
      %dma_wait3A_402 = tpu.memref_slice %arg4[%dma_wait3A_394, %dma_wait3A_400, %dma_wait3A_401] : memref<15x8x128xf32, #tpu.memory_space<vmem>> -> memref<1x8x128xf32, #tpu.memory_space<vmem>>
      %dma_wait3A_403 = tpu.memref_squeeze %dma_wait3A_402 : memref<1x8x128xf32, #tpu.memory_space<vmem>> -> memref<8x128xf32, #tpu.memory_space<vmem>>
      %dma_wait3A_404 = tpu.memref_slice %arg2[%mul3A_100, %multiple_of3A_98] : memref<128x100000xf32, #tpu.memory_space<hbm>> -> memref<8x128xf32, #tpu.memory_space<hbm>>
      tpu.wait_dma2 semaphore(%arg5 : memref<!tpu.dma_semaphore, #tpu.memory_space<semaphore_mem>>) src(%dma_wait3A_404 : memref<8x128xf32, #tpu.memory_space<hbm>>) dst(%dma_wait3A_403 : memref<8x128xf32, #tpu.memory_space<vmem>>)
      %dma_wait3A_405 = arith.constant 11 : i32
      %dma_wait3A_406 = arith.constant 0 : i32
      %dma_wait3A_407 = arith.constant 0 : i32
      %dma_wait3A_408 = tpu.memref_slice %arg4[%dma_wait3A_405, %dma_wait3A_406, %dma_wait3A_407] : memref<15x8x128xf32, #tpu.memory_space<vmem>> -> memref<1x8x128xf32, #tpu.memory_space<vmem>>
      %dma_wait3A_409 = tpu.memref_squeeze %dma_wait3A_408 : memref<1x8x128xf32, #tpu.memory_space<vmem>> -> memref<8x128xf32, #tpu.memory_space<vmem>>
      %dma_wait3A_410 = tpu.memref_slice %arg2[%mul3A_105, %multiple_of3A_103] : memref<128x100000xf32, #tpu.memory_space<hbm>> -> memref<8x128xf32, #tpu.memory_space<hbm>>
      %dma_wait3A_411 = arith.constant 0 : i32
      %dma_wait3A_412 = arith.constant 0 : i32
      %dma_wait3A_413 = tpu.memref_slice %arg4[%dma_wait3A_405, %dma_wait3A_411, %dma_wait3A_412] : memref<15x8x128xf32, #tpu.memory_space<vmem>> -> memref<1x8x128xf32, #tpu.memory_space<vmem>>
      %dma_wait3A_414 = tpu.memref_squeeze %dma_wait3A_413 : memref<1x8x128xf32, #tpu.memory_space<vmem>> -> memref<8x128xf32, #tpu.memory_space<vmem>>
      %dma_wait3A_415 = tpu.memref_slice %arg2[%mul3A_105, %multiple_of3A_103] : memref<128x100000xf32, #tpu.memory_space<hbm>> -> memref<8x128xf32, #tpu.memory_space<hbm>>
      tpu.wait_dma2 semaphore(%arg5 : memref<!tpu.dma_semaphore, #tpu.memory_space<semaphore_mem>>) src(%dma_wait3A_415 : memref<8x128xf32, #tpu.memory_space<hbm>>) dst(%dma_wait3A_414 : memref<8x128xf32, #tpu.memory_space<vmem>>)
      %dma_wait3A_416 = arith.constant 12 : i32
      %dma_wait3A_417 = arith.constant 0 : i32
      %dma_wait3A_418 = arith.constant 0 : i32
      %dma_wait3A_419 = tpu.memref_slice %arg4[%dma_wait3A_416, %dma_wait3A_417, %dma_wait3A_418] : memref<15x8x128xf32, #tpu.memory_space<vmem>> -> memref<1x8x128xf32, #tpu.memory_space<vmem>>
      %dma_wait3A_420 = tpu.memref_squeeze %dma_wait3A_419 : memref<1x8x128xf32, #tpu.memory_space<vmem>> -> memref<8x128xf32, #tpu.memory_space<vmem>>
      %dma_wait3A_421 = tpu.memref_slice %arg2[%mul3A_110, %multiple_of3A_108] : memref<128x100000xf32, #tpu.memory_space<hbm>> -> memref<8x128xf32, #tpu.memory_space<hbm>>
      %dma_wait3A_422 = arith.constant 0 : i32
      %dma_wait3A_423 = arith.constant 0 : i32
      %dma_wait3A_424 = tpu.memref_slice %arg4[%dma_wait3A_416, %dma_wait3A_422, %dma_wait3A_423] : memref<15x8x128xf32, #tpu.memory_space<vmem>> -> memref<1x8x128xf32, #tpu.memory_space<vmem>>
      %dma_wait3A_425 = tpu.memref_squeeze %dma_wait3A_424 : memref<1x8x128xf32, #tpu.memory_space<vmem>> -> memref<8x128xf32, #tpu.memory_space<vmem>>
      %dma_wait3A_426 = tpu.memref_slice %arg2[%mul3A_110, %multiple_of3A_108] : memref<128x100000xf32, #tpu.memory_space<hbm>> -> memref<8x128xf32, #tpu.memory_space<hbm>>
      tpu.wait_dma2 semaphore(%arg5 : memref<!tpu.dma_semaphore, #tpu.memory_space<semaphore_mem>>) src(%dma_wait3A_426 : memref<8x128xf32, #tpu.memory_space<hbm>>) dst(%dma_wait3A_425 : memref<8x128xf32, #tpu.memory_space<vmem>>)
      %dma_wait3A_427 = arith.constant 13 : i32
      %dma_wait3A_428 = arith.constant 0 : i32
      %dma_wait3A_429 = arith.constant 0 : i32
      %dma_wait3A_430 = tpu.memref_slice %arg4[%dma_wait3A_427, %dma_wait3A_428, %dma_wait3A_429] : memref<15x8x128xf32, #tpu.memory_space<vmem>> -> memref<1x8x128xf32, #tpu.memory_space<vmem>>
      %dma_wait3A_431 = tpu.memref_squeeze %dma_wait3A_430 : memref<1x8x128xf32, #tpu.memory_space<vmem>> -> memref<8x128xf32, #tpu.memory_space<vmem>>
      %dma_wait3A_432 = tpu.memref_slice %arg2[%mul3A_115, %multiple_of3A_113] : memref<128x100000xf32, #tpu.memory_space<hbm>> -> memref<8x128xf32, #tpu.memory_space<hbm>>
      %dma_wait3A_433 = arith.constant 0 : i32
      %dma_wait3A_434 = arith.constant 0 : i32
      %dma_wait3A_435 = tpu.memref_slice %arg4[%dma_wait3A_427, %dma_wait3A_433, %dma_wait3A_434] : memref<15x8x128xf32, #tpu.memory_space<vmem>> -> memref<1x8x128xf32, #tpu.memory_space<vmem>>
      %dma_wait3A_436 = tpu.memref_squeeze %dma_wait3A_435 : memref<1x8x128xf32, #tpu.memory_space<vmem>> -> memref<8x128xf32, #tpu.memory_space<vmem>>
      %dma_wait3A_437 = tpu.memref_slice %arg2[%mul3A_115, %multiple_of3A_113] : memref<128x100000xf32, #tpu.memory_space<hbm>> -> memref<8x128xf32, #tpu.memory_space<hbm>>
      tpu.wait_dma2 semaphore(%arg5 : memref<!tpu.dma_semaphore, #tpu.memory_space<semaphore_mem>>) src(%dma_wait3A_437 : memref<8x128xf32, #tpu.memory_space<hbm>>) dst(%dma_wait3A_436 : memref<8x128xf32, #tpu.memory_space<vmem>>)
      %dma_wait3A_438 = arith.constant 14 : i32
      %dma_wait3A_439 = arith.constant 0 : i32
      %dma_wait3A_440 = arith.constant 0 : i32
      %dma_wait3A_441 = tpu.memref_slice %arg4[%dma_wait3A_438, %dma_wait3A_439, %dma_wait3A_440] : memref<15x8x128xf32, #tpu.memory_space<vmem>> -> memref<1x8x128xf32, #tpu.memory_space<vmem>>
      %dma_wait3A_442 = tpu.memref_squeeze %dma_wait3A_441 : memref<1x8x128xf32, #tpu.memory_space<vmem>> -> memref<8x128xf32, #tpu.memory_space<vmem>>
      %dma_wait3A_443 = tpu.memref_slice %arg2[%mul3A_120, %multiple_of3A_118] : memref<128x100000xf32, #tpu.memory_space<hbm>> -> memref<8x128xf32, #tpu.memory_space<hbm>>
      %dma_wait3A_444 = arith.constant 0 : i32
      %dma_wait3A_445 = arith.constant 0 : i32
      %dma_wait3A_446 = tpu.memref_slice %arg4[%dma_wait3A_438, %dma_wait3A_444, %dma_wait3A_445] : memref<15x8x128xf32, #tpu.memory_space<vmem>> -> memref<1x8x128xf32, #tpu.memory_space<vmem>>
      %dma_wait3A_447 = tpu.memref_squeeze %dma_wait3A_446 : memref<1x8x128xf32, #tpu.memory_space<vmem>> -> memref<8x128xf32, #tpu.memory_space<vmem>>
      %dma_wait3A_448 = tpu.memref_slice %arg2[%mul3A_120, %multiple_of3A_118] : memref<128x100000xf32, #tpu.memory_space<hbm>> -> memref<8x128xf32, #tpu.memory_space<hbm>>
      tpu.wait_dma2 semaphore(%arg5 : memref<!tpu.dma_semaphore, #tpu.memory_space<semaphore_mem>>) src(%dma_wait3A_448 : memref<8x128xf32, #tpu.memory_space<hbm>>) dst(%dma_wait3A_447 : memref<8x128xf32, #tpu.memory_space<vmem>>)
    }
    %scan3A_37 = arith.constant 26 : i32
    %eq3A_38 = arith.constant 0 : i32
    %eq3A_39 = arith.cmpi eq, %add3A, %eq3A_38 : i32
    %convert_element_type3A = arith.extui %eq3A_39 : i1 to i32
    %cond3A = arith.constant 0 : i32
    %cond3A_40 = arith.cmpi ne, %convert_element_type3A, %cond3A : i32
    scf.if %cond3A_40 {
      %run_scoped3A = arith.constant 0 : i32
      "tpu.region"() ({
        %run_scoped3A_41 = tpu.sem_alloc : memref<!tpu.dma_semaphore, #tpu.memory_space<semaphore_mem>>
        %dma_start3A = arith.constant 0 : i32
        %dma_start3A_42 = arith.constant 0 : i32
        %dma_start3A_43 = tpu.memref_slice %arg4[%run_scoped3A, %dma_start3A, %dma_start3A_42] : memref<15x8x128xf32, #tpu.memory_space<vmem>> -> memref<1x8x128xf32, #tpu.memory_space<vmem>>
        %dma_start3A_44 = tpu.memref_squeeze %dma_start3A_43 : memref<1x8x128xf32, #tpu.memory_space<vmem>> -> memref<8x128xf32, #tpu.memory_space<vmem>>
        %dma_start3A_45 = arith.constant 0 : i32
        %dma_start3A_46 = arith.constant 0 : i32
        %dma_start3A_47 = tpu.memref_slice %arg4[%run_scoped3A, %dma_start3A_45, %dma_start3A_46] : memref<15x8x128xf32, #tpu.memory_space<vmem>> -> memref<1x8x128xf32, #tpu.memory_space<vmem>>
        %dma_start3A_48 = tpu.memref_squeeze %dma_start3A_47 : memref<1x8x128xf32, #tpu.memory_space<vmem>> -> memref<8x128xf32, #tpu.memory_space<vmem>>
        tpu.enqueue_dma source(%dma_start3A_48 : memref<8x128xf32, #tpu.memory_space<vmem>>) target(%arg3 : memref<8x128xf32, #tpu.memory_space<hbm>>) target_semaphore(%run_scoped3A_41 : memref<!tpu.dma_semaphore, #tpu.memory_space<semaphore_mem>>)
        %dma_wait3A = arith.constant 0 : i32
        %dma_wait3A_49 = arith.constant 0 : i32
        %dma_wait3A_50 = tpu.memref_slice %arg4[%run_scoped3A, %dma_wait3A, %dma_wait3A_49] : memref<15x8x128xf32, #tpu.memory_space<vmem>> -> memref<1x8x128xf32, #tpu.memory_space<vmem>>
        %dma_wait3A_51 = tpu.memref_squeeze %dma_wait3A_50 : memref<1x8x128xf32, #tpu.memory_space<vmem>> -> memref<8x128xf32, #tpu.memory_space<vmem>>
        %dma_wait3A_52 = arith.constant 0 : i32
        %dma_wait3A_53 = arith.constant 0 : i32
        %dma_wait3A_54 = tpu.memref_slice %arg4[%run_scoped3A, %dma_wait3A_52, %dma_wait3A_53] : memref<15x8x128xf32, #tpu.memory_space<vmem>> -> memref<1x8x128xf32, #tpu.memory_space<vmem>>
        %dma_wait3A_55 = tpu.memref_squeeze %dma_wait3A_54 : memref<1x8x128xf32, #tpu.memory_space<vmem>> -> memref<8x128xf32, #tpu.memory_space<vmem>>
        tpu.wait_dma2 semaphore(%run_scoped3A_41 : memref<!tpu.dma_semaphore, #tpu.memory_space<semaphore_mem>>) src(%dma_wait3A_55 : memref<8x128xf32, #tpu.memory_space<vmem>>) dst(%arg3 : memref<8x128xf32, #tpu.memory_space<hbm>>)
        tpu.yield
      }) : () -> ()
    } else {
    }
    return
  }
}

</mosaic_0001>

<sc_bundles>
// kernel: kernel.3.cloned.1.call-start
scs
__scs_entry_jumppad:
0x0: {  	(pc) =	sbr.rel $0x88, $3  }
0x1: {  	(tag) =	ssettag $0x0;
	lr =	simm.s32 $0x1  }
0x2: {  	[smem:$0x3FA0] =	sst lr;
	_ =	strace $0xD0000000  }
0x3: {  	_ = 	snop  }
0x4: {  	_ = 	snop  }
0x5: {  	_ = 	snop  }
0x6: {  	_ = 	snop  }
0x7: {  	_ = 	snop  }
__scs_overlays_trampoline_lowered:
0x8: {  	[smem:$0x3FAF] =	sst s0  }
0x9: {  	[smem:$0x3FB0] =	sst s1  }
0xa: {  	[smem:$0x3FB1] =	sst s2  }
0xb: {  	[smem:$0x3FB2] =	sst s3  }
0xc: {  	[smem:$0x3FB3] =	sst s4  }
0xd: {  	[smem:$0x3FB4] =	sst s5  }
0xe: {  	[smem:$0x3FB5] =	sst s6  }
0xf: {  	[smem:$0x3FB6] =	sst s7  }
0x10: {  	[smem:$0x3FB7] =	sst s8  }
0x11: {  	[smem:$0x3FB8] =	sst s9;
	s0 =	simm.s32 @!p0 $0x0  }
0x12: {  	s1 =	sld [smem:$0x3F9E];
	s0 =	simm.s32 @p0 $0x1  }
0x13: {  	[smem:$0x3FB9] =	sst s0;
	s0 =	simm.s32 @!p1 $0x0  }
0x14: {  	s2 =	sld [smem:$0x3F9D];
	s0 =	simm.s32 @p1 $0x1  }
0x15: {  	[smem:$0x3FBA] =	sst s0;
	s0 =	simm.s32 @!p2 $0x0  }
0x16: {  	s3 =	sld [smem:$0x3FDB];
	s0 =	simm.s32 @p2 $0x1  }
0x17: {  	s4 =	simm.s32 $0x1BF5;
	[smem:$0x3FBC] =	sst s0  }
0x18: {  	s0 =	sld [smem:$0x3F9F];
	_ =	swait.ge [sflag:s4], $0x0  }
0x19: {  	s7 =	sld [smem:$0x3FA0]  }
0x1a: {  	s8 =	sadd.s32 $0xFFFFE003, lr  }
0x1b: {  	s9 =	sadd.s32 $0xFFFFFEF7, lr;
	s5 =	simm.s32 $0xFFFFFFFF;
	p2 =	slt.u32 s8, $0xFFFFF086  }
0x1c: {  	p1 =	slt.u32 s9, $0xF7A;
	s5 =	simm.s32 @!p2 $0x0  }
0x1d: {  	s5 =	simm.s32 @p1 $0x1;
	p0 =	seq.s32 s7, s2  }
0x1e: {  	s7 =	smul.u32 @!p0 $0xF7A, s2;
	p2 =	seq.s32 @!p0 s5, $0x0  }
0x1f: {  	s9 =	smul.u32 $0xF7A, s1;
	s8 =	simm.s32 @!p0 $0x1BF5;
	p2 =	por !p2, p0  }
0x20: {  	[sflag:s8] =	ssyncset.s32 @!p0 $0xFFFFF086;
	s6 =	sadd.s32 @!p0 s3, s7;
	s7 =	simm.s32 @!p0 $0x108  }
0x21: {  	s3 =	sadd.s32 s3, s9;
	s6 =	sadd.s32 @!p0 $0x88, s6;
	s7 =	simm.s32 @p2 $0x1082  }
0x22: {  	[simem:s7], [sflag:s8] =	dma.local @!p0 [hbm:s6], $0xF7A  }
0x23: {  	s9 =	sor.u32 $0xD0000000, s2;
	s6 =	simm.s32 $0x108;
	_ =	swait.ge @!p0 [sflag:s8], $0x0  }
0x24: {  	s3 =	sadd.s32 $0x88, s3;
	s6 =	simm.s32 @!p1 $0x1082;
	[sflag:s4] =	ssyncset.s32 $0xFFFFF086  }
0x25: {  	[simem:s6], [sflag:s4] =	dma.local [hbm:s3], $0xF7A  }
0x26: {  	[smem:$0x3FA0] =	sst s1;
	(tag) =	ssettag s2;
	_ =	strace s9  }
0x27: {  	s1 =	sld [smem:$0x3FB0]  }
0x28: {  	s2 =	sld [smem:$0x3FB1]  }
0x29: {  	s4 =	sld [smem:$0x3FB3]  }
0x2a: {  	p0 =	seq.s32 s5, $0x0;
	s5 =	sld [smem:$0x3FB4]  }
0x2b: {  	s6 =	sld [smem:$0x3FB5]  }
0x2c: {  	s7 =	sld [smem:$0x3FB6]  }
0x2d: {  	s3 =	simm.s32 $0x108;
	s8 =	sld [smem:$0x3FB7]  }
0x2e: {  	s3 =	simm.s32 @!p0 $0x1082;
	s9 =	sld [smem:$0x3FB8]  }
0x2f: {  	lr =	sadd.s32 s0, s3;
	s0 =	sld [smem:$0x3FAF]  }
0x30: {  	s3 =	sld [smem:$0x3FB2]  }
0x31: {  	[smem:$0x3FBB] =	sst s10  }
0x32: {  	s10 =	sld [smem:$0x3FB9];
	_ =	sdelay $0x3  }
0x33: {  	p0 =	seq.s32 s10, $0x1;
	s10 =	sld [smem:$0x3FBB];
	_ =	sdelay $0x3  }
0x34: {  	[smem:$0x3FBB] =	sst s10  }
0x35: {  	s10 =	sld [smem:$0x3FBA];
	_ =	sdelay $0x3  }
0x36: {  	p1 =	seq.s32 s10, $0x1;
	s10 =	sld [smem:$0x3FBB];
	_ =	sdelay $0x3  }
0x37: {  	[smem:$0x3FBB] =	sst s10  }
0x38: {  	s10 =	sld [smem:$0x3FBC]  }
0x39: {  	_ = 	snop;
	(pc) =	sbr.ind lr, $3  }
0x3a: {  	_ = 	snop  }
0x3b: {  	_ = 	snop  }
0x3c: {  	p2 =	seq.s32 s10, $0x1;
	s10 =	sld [smem:$0x3FBB]  }
0x3d: {  	_ =	shalt  }
0x3e: {  	_ =	shalt  }
0x3f: {  	_ =	shalt  }
0x40: {  	_ =	shalt  }
0x41: {  	_ =	shalt  }
0x42: {  	_ =	shalt  }
0x43: {  	_ =	shalt  }
0x44: {  	_ =	shalt  }
0x45: {  	_ =	shalt  }
0x46: {  	_ =	shalt  }
0x47: {  	_ =	shalt  }
0x48: {  	_ =	shalt  }
0x49: {  	_ =	shalt  }
0x4a: {  	_ =	shalt  }
0x4b: {  	_ =	shalt  }
0x4c: {  	_ =	shalt  }
0x4d: {  	_ =	shalt  }
0x4e: {  	_ =	shalt  }
0x4f: {  	_ =	shalt  }
0x50: {  	_ =	shalt  }
0x51: {  	_ =	shalt  }
0x52: {  	_ =	shalt  }
0x53: {  	_ =	shalt  }
0x54: {  	_ =	shalt  }
0x55: {  	_ =	shalt  }
0x56: {  	_ =	shalt  }
0x57: {  	_ =	shalt  }
0x58: {  	_ =	shalt  }
0x59: {  	_ =	shalt  }
0x5a: {  	_ =	shalt  }
0x5b: {  	_ =	shalt  }
0x5c: {  	_ =	shalt  }
0x5d: {  	_ =	shalt  }
0x5e: {  	_ =	shalt  }
0x5f: {  	_ =	shalt  }
0x60: {  	_ =	shalt  }
0x61: {  	_ =	shalt  }
0x62: {  	_ =	shalt  }
0x63: {  	_ =	shalt  }
0x64: {  	_ =	shalt  }
0x65: {  	_ =	shalt  }
0x66: {  	_ =	shalt  }
0x67: {  	_ =	shalt  }
0x68: {  	_ =	shalt  }
0x69: {  	_ =	shalt  }
0x6a: {  	_ =	shalt  }
0x6b: {  	_ =	shalt  }
0x6c: {  	_ =	shalt  }
0x6d: {  	_ =	shalt  }
0x6e: {  	_ =	shalt  }
0x6f: {  	_ =	shalt  }
0x70: {  	_ =	shalt  }
0x71: {  	_ =	shalt  }
0x72: {  	_ =	shalt  }
0x73: {  	_ =	shalt  }
0x74: {  	_ =	shalt  }
0x75: {  	_ =	shalt  }
0x76: {  	_ =	shalt  }
0x77: {  	_ =	shalt  }
0x78: {  	_ =	shalt  }
0x79: {  	_ =	shalt  }
0x7a: {  	_ =	shalt  }
0x7b: {  	_ =	shalt  }
0x7c: {  	_ =	shalt  }
0x7d: {  	_ =	shalt  }
0x7e: {  	_ =	shalt  }
0x7f: {  	_ =	shalt  }
0x80: {  	_ =	shalt  }
0x81: {  	_ =	shalt  }
0x82: {  	_ =	shalt  }
0x83: {  	_ =	shalt  }
0x84: {  	_ =	shalt  }
0x85: {  	_ =	shalt  }
0x86: {  	_ =	shalt  }
0x87: {  	_ =	shalt  }
.Lfunc_end0:
.L_simem_size_0:
called_computation_lowered:
.L_overlay_start_0:
0x88: {  	s2 =	sld [smem:$0x3FD9]  }
0x89: {  	s3 =	sld [smem:$0x3FFE];
	_ =	sdelay $0x1  }
0x8a: {  	s1 =	srdreg.scid  }
0x8b: {  	s0 =	sand.u32 $0x1, s1  }
0x8c: {  	s17 =	sshll.u32 s0, $0xA;
	s2 =	sadd.s32 s3, s2  }
0x8d: {  	s2 =	sadd.s32 s2, s17  }
0x8e: {  	[smem:$0x3FC7] =	sst s2  }
0x8f: {  	_ = 	snop  }
0x90: {  	s2 =	sld [smem:$0x3FD0];
	(tm) =	ssettm $0x1  }
0x91: {  	s18 =	sld [smem:$0x3FFB];
	_ =	sdelay $0x3  }
0x92: {  	_ =	strace s18  }
0x93: {  	s3 =	sld [smem:$0x3FFC];
	_ =	sdelay $0x3  }
0x94: {  	_ =	strace s3  }
0x95: {  	s3 =	sld [smem:$0x3FFD];
	_ =	sdelay $0x3  }
0x96: {  	_ =	strace s3  }
0x97: {  	_ =	strace $0x8FFFFFFF  }
0x98: {  	s19 =	sld [smem:$0x3FDB];
	_ =	sdelay $0x1  }
0x99: {  	s4 =	simm.s32 $_scs_section_size  }
0x9a: {  	s5 =	simm.s32 $_size__tile_overlayer_lowered;
	s6 =	simm.s32 $_tile_overlayer_lowered  }
0x9b: {  	s22 =	simm.s32 $0x1BFF;
	s21 =	sshll.u32 s6, $0x1;
	s3 =	sadd.s32 s4, s19  }
0x9c: {  	s7 =	simm.s32 $0x0;
	s20 =	sshll.u32 s5, $0x1;
	s5 =	sadd.s32 s21, s3  }
0x9d: {  	[timem:s7], [sflag:s22] =	dma.local [hbm:s5], s20  }
0x9e: {  	_ =	swait.ge [sflag:s22], s20  }
0x9f: {  	s4 =	ssub.s32 $0x0, s20;
	[sflag:s22] =	ssyncset.done $0x0  }
0xa0: {  	[sflag:s22] =	ssyncadd.s32 s4;
	_ =	sdelay $0x1  }
0xa1: {  	s23 =	simm.s32 $0x1B8B  }
0xa2: {  	_ =	swait.ge [sflag:s23], $0x1  }
0xa3: {  	[sflag:s23] =	ssyncset.done $0x0  }
0xa4: {  	s25 =	simm.s32 $0x1B8E;
	s24 =	sld [smem:$0x3FFE];
	[sflag:s23] =	ssyncadd.s32 $0xFFFFFFFF  }
0xa5: {  	s26 =	simm.s32 $execute0_lowered;
	[smem:$0x3FD2] =	sst s25  }
0xa6: {  	s5 =	sshll.u32 s26, $0x1;
	_ =	strace $0x80000046;
	[dreg:$0x1] =	wrdreg $0xFFFFFFFF  }
0xa7: {  	s28 =	simm.s32 $_size_execute0_lowered;
	s3 =	sadd.s32 s3, s5;
	[dreg:$0x0] =	wrdreg $0x0  }
0xa8: {  	s5 =	sshll.u32 s28, $0x1;
	[dreg:$0x2] =	wrdreg s3  }
0xa9: {  	[dreg:$0x3] =	wrdreg s5  }
0xaa: {  	[dreg:$0x4] =	wrdreg $0xC0  }
0xab: {  	_ =	task [dreg:s7], $0x5FFFF  }
0xac: {  	[dreg:$0x1] =	wrdreg $0xFFFFFFFF  }
0xad: {  	[dreg:$0x0] =	wrdreg $0x60  }
0xae: {  	[dreg:$0x2] =	wrdreg s24  }
0xaf: {  	[dreg:$0x3] =	wrdreg s2  }
0xb0: {  	[dreg:$0x4] =	wrdreg $0x9  }
0xb1: {  	_ =	task.clear_ibuf [dreg:s7], $0x5FFFF;
	_ =	strace $0x90000046  }
0xb2: {  	s29 =	simm.s32 $0x9;
	_ =	strace $0x80000048  }
0xb3: {  	_ =	swait.ge [sflag:s29], $0x1  }
0xb4: {  	[sflag:s29] =	ssyncadd.s32 $0xFFFFFFFF  }
0xb5: {  	_ =	strace $0x90000048  }
0xb6: {  	_ =	sfence  }
0xb7: {  	s30 =	sld [smem:$0x0];
	_ =	sdelay $0x2  }
0xb8: {  	s31 =	sshll.u32 s1, $0xD;
	s1 =	sshrl.u32 s1, $0x2  }
0xb9: {  	s3 =	sand.u32 $0x4000, s31;
	s1 =	sadd.s32 s1, s30  }
0xba: {  	s0 =	sor.u32 s3, s0;
	s1 =	sshll.u32 s1, $0x11  }
0xbb: {  	s0 =	sor.u32 s1, s0  }
0xbc: {  	s0 =	sadd.s32 $0x8F2B, s0  }
0xbd: {  	[sflag:s0] =	ssyncadd.remote.s32 $0x1  }
0xbe: {  	_ =	sfence.sel $0xFFFF  }
0xbf: {  	[dreg:$0x0] =	wrdreg $0xFFFFFFFF;
	(pc) =	sbr.abs _section_cstart, $3  }
0xc0: {  	[dreg:$0x1] =	wrdreg $0xFFFFFFFF  }
0xc1: {  	_ =	task.clear_ibuf [dreg:s7], $0x2FFFF;
	_ =	strace $0x9FFFFFFF  }
0xc2: {  	(tm) =	ssettm $0x7FFFFFFF  }
0xc3: {  	_ =	shalt  }
tec
execute0_lowered:
.L_overlay_start_1:
0x0: {  	(tag) =	ssettag $0x1  }
0x1: {  	s1 =	srdreg.scid  }
0x2: {  	s0 =	stileid.u32;
	s6 =	rddreg [dreg:$0x0]  }
0x3: {  	s2 =	rddreg [dreg:$0x1];
	s4 =	sand.u32 $0x1, s1;
	s22 =	sshll.u32 s0, $0x1  }
0x4: {  	s3 =	sshrl.u32 s0, $0x3;
	s6 =	sadd.s32 $0x400, s6;
	s21 =	sor.u32 s4, s22  }
0x5: {  	s7 =	smul.u32 $0x61800, s3;
	s3 =	simm.s32 $0x0;
	s4 =	ssub.s32 $0x2, s4  }
0x6: {  	s1 =	sand.u32 $0xF, s21;
	[smem:$0x7FF] =	sst s3;
	s9 =	sshrl.u32 s4, $0x1  }
0x7: {  	p0 =	sne.s32 s21, $0x0;
	s21 =	simm.s32 $0x0;
	s5 =	smul.u32 $0xC3800, s1  }
0x8: {  	s1 =	rddreg [dreg:$0x2];
	_ =	strace $0x80000047;
	s4 =	ssub.s32 s4, s9  }
0x9: {  	s9 =	simm.s32 $0x1000;
	s4 =	smax.u32 s4, $0x1;
	s5 =	sadd.s32 s7, s5  }
0xa: {  	s7 =	sadd.s32 $0x3800, s5;
	s8 =	sadd.s32 $0x3400, s5;
	s24 =	sadd.s32 $0x3000, s5  }
0xb: {  	s26 =	sadd.s32 $0x2C00, s5;
	s10 =	sadd.s32 $0x2800, s5;
	s31 =	sadd.s32 $0x2400, s5  }
0xc: {  	s11 =	sadd.s32 $0x2000, s5;
	s12 =	sadd.s32 $0x1C00, s5;
	s16 =	sadd.s32 $0x1800, s5  }
0xd: {  	s18 =	sadd.s32 $0x1400, s5;
	s19 =	sadd.s32 $0x1000, s5;
	s7 =	sshrl.u32 s7, $0x3  }
0xe: {  	s8 =	sshrl.u32 s8, $0x3;
	s25 =	sshrl.u32 s24, $0x3;
	s29 =	sshrl.u32 s10, $0x3  }
0xf: {  	s10 =	sshrl.u32 s31, $0x3;
	s14 =	sshrl.u32 s12, $0x3;
	s17 =	sshrl.u32 s16, $0x3  }
0x10: {  	s22 =	sshrl.u32 s19, $0x3;
	s24 =	sadd.s32 $0xC00, s5;
	s12 =	simm.s32 $0x1C00  }
0x11: {  	s16 =	simm.s32 $0x2C00;
	s19 =	simm.s32 $0x3800;
	s7 =	sadd.s32 s7, s6  }
0x12: {  	s23 =	sadd.s32 s8, s6;
	s8 =	sshrl.u32 s26, $0x3;
	s30 =	sadd.s32 s29, s6  }
0x13: {  	s15 =	sadd.s32 s14, s6;
	s26 =	sadd.s32 $0x800, s5;
	[dreg:$0x3] =	wrdreg s7  }
0x14: {  	s14 =	simm.s32 $0x2400;
	[dreg:$0x4] =	wrdreg s23;
	s7 =	sadd.s32 s25, s6  }
0x15: {  	s28 =	sadd.s32 s8, s6;
	[dreg:$0x7] =	wrdreg s30;
	s8 =	sshrl.u32 s11, $0x3  }
0x16: {  	[dreg:$0xa] =	wrdreg s15;
	s23 =	sadd.s32 s22, s6;
	s25 =	sshrl.u32 s24, $0x3  }
0x17: {  	s11 =	simm.s32 $0x1800;
	s15 =	simm.s32 $0x2800;
	[dreg:$0x5] =	wrdreg s7  }
0x18: {  	[dreg:$0x6] =	wrdreg s28;
	s7 =	sadd.s32 s10, s6;
	s13 =	sadd.s32 s8, s6  }
0x19: {  	s8 =	sshrl.u32 s18, $0x3;
	[dreg:$0xd] =	wrdreg s23;
	s28 =	sor.u32 $0x400, s5  }
0x1a: {  	s5 =	sshrl.u32 s5, $0x3;
	s10 =	simm.s32 $0x1400;
	[dreg:$0x8] =	wrdreg s7  }
0x1b: {  	s18 =	simm.s32 $0x3400;
	[dreg:$0x9] =	wrdreg s13;
	s7 =	sadd.s32 s17, s6  }
0x1c: {  	s20 =	sadd.s32 s8, s6;
	s8 =	sshrl.u32 s26, $0x3;
	s30 =	sshrl.u32 s28, $0x3  }
0x1d: {  	s5 =	sadd.s32 s5, s6;
	s13 =	simm.s32 $0x2000;
	[dreg:$0xb] =	wrdreg s7  }
0x1e: {  	s17 =	simm.s32 $0x3000;
	[dreg:$0xc] =	wrdreg s20;
	s7 =	sadd.s32 s25, s6  }
0x1f: {  	s29 =	sadd.s32 s8, s6;
	s31 =	sadd.s32 s30, s6;
	[dreg:$0xe] =	wrdreg s7  }
0x20: {  	s6 =	simm.s32 $0x400;
	s8 =	simm.s32 $0xC00;
	[dreg:$0xf] =	wrdreg s29  }
0x21: {  	s20 =	simm.s32 $0x1;
	[dreg:$0x10] =	wrdreg s31;
	s7 =	simm.s32 $0x800  }
.LBB2_1:
0x22: {  	s22 =	rddreg [dreg:$0x10];
	s23 =	sadd.s32 $0x0, s5  }
0x23: {  	[tilespmem:s3], [sflag:$0x1] =	stream.linear.gather [hbm4b:s23+s3], $0x400, $0x38;
	[tilespmem:$0x3C00] =	vst v63  }
0x24: {  	s24 =	rddreg [dreg:$0xf];
	s22 =	sadd.s32 $0x0, s22  }
0x25: {  	[tilespmem:s6], [sflag:$0x1] =	stream.linear.gather [hbm4b:s22+s3], $0x400, $0x38;
	[tilespmem:$0x3C00] =	vst v63  }
0x26: {  	s31 =	rddreg [dreg:$0xe];
	s24 =	sadd.s32 $0x0, s24  }
0x27: {  	[tilespmem:s7], [sflag:$0x1] =	stream.linear.gather [hbm4b:s24+s3], $0x400, $0x38;
	[tilespmem:$0x3C00] =	vst v63  }
0x28: {  	s25 =	rddreg [dreg:$0xd];
	s26 =	sadd.s32 $0x0, s31  }
0x29: {  	[tilespmem:s8], [sflag:$0x1] =	stream.linear.gather [hbm4b:s26+s3], $0x400, $0x38;
	[tilespmem:$0x3C00] =	vst v63  }
0x2a: {  	s29 =	rddreg [dreg:$0xc];
	s30 =	sadd.s32 $0x0, s25  }
0x2b: {  	[tilespmem:s9], [sflag:$0x1] =	stream.linear.gather [hbm4b:s30+s3], $0x400, $0x38;
	[tilespmem:$0x3C00] =	vst v63  }
0x2c: {  	s31 =	rddreg [dreg:$0xb];
	s23 =	sadd.s32 $0x0, s29  }
0x2d: {  	[tilespmem:s10], [sflag:$0x1] =	stream.linear.gather [hbm4b:s23+s3], $0x400, $0x38;
	[tilespmem:$0x3C00] =	vst v63  }
0x2e: {  	s25 =	rddreg [dreg:$0xa];
	s26 =	sadd.s32 $0x0, s31  }
0x2f: {  	[tilespmem:s11], [sflag:$0x1] =	stream.linear.gather [hbm4b:s26+s3], $0x400, $0x38;
	[tilespmem:$0x3C00] =	vst v63  }
0x30: {  	s29 =	rddreg [dreg:$0x9];
	s30 =	sadd.s32 $0x0, s25  }
0x31: {  	[tilespmem:s12], [sflag:$0x1] =	stream.linear.gather [hbm4b:s30+s3], $0x400, $0x38;
	[tilespmem:$0x3C00] =	vst v63  }
0x32: {  	s24 =	sadd.s32 $0x0, s29;
	s31 =	rddreg [dreg:$0x8]  }
0x33: {  	[tilespmem:s13], [sflag:$0x1] =	stream.linear.gather [hbm4b:s24+s3], $0x400, $0x38;
	[tilespmem:$0x3C00] =	vst v63  }
0x34: {  	s25 =	rddreg [dreg:$0x7];
	s26 =	sadd.s32 $0x0, s31  }
0x35: {  	[tilespmem:s14], [sflag:$0x1] =	stream.linear.gather [hbm4b:s26+s3], $0x400, $0x38;
	[tilespmem:$0x3C00] =	vst v63  }
0x36: {  	s29 =	rddreg [dreg:$0x6];
	s30 =	sadd.s32 $0x0, s25  }
0x37: {  	[tilespmem:s15], [sflag:$0x1] =	stream.linear.gather [hbm4b:s30+s3], $0x400, $0x38;
	[tilespmem:$0x3C00] =	vst v63  }
0x38: {  	s23 =	sadd.s32 $0x0, s29;
	s31 =	rddreg [dreg:$0x5]  }
0x39: {  	[tilespmem:s16], [sflag:$0x1] =	stream.linear.gather [hbm4b:s23+s3], $0x400, $0x38;
	[tilespmem:$0x3C00] =	vst v63  }
0x3a: {  	s25 =	rddreg [dreg:$0x4];
	s26 =	sadd.s32 $0x0, s31  }
0x3b: {  	[tilespmem:s17], [sflag:$0x1] =	stream.linear.gather [hbm4b:s26+s3], $0x400, $0x38;
	[tilespmem:$0x3C00] =	vst v63  }
0x3c: {  	s29 =	rddreg [dreg:$0x3];
	s30 =	sadd.s32 $0x0, s25  }
0x3d: {  	[tilespmem:s18], [sflag:$0x1] =	stream.linear.gather [hbm4b:s30+s3], $0x400, $0x38;
	[tilespmem:$0x3C00] =	vst v63  }
0x3e: {  	s31 =	sadd.s32 $0x0, s29  }
0x3f: {  	[tilespmem:s19], [sflag:$0x1] =	stream.linear.gather [hbm4b:s31+s3], $0x400, $0x38;
	[tilespmem:$0x3C00] =	vst v63  }
0x40: {  	_ =	swait.ge [sflag:s20], $0x400  }
0x41: {  	[sflag:s20] =	ssyncset.done $0x0  }
0x42: {  	[sflag:s20] =	ssyncadd.s32 $0xFFFFFC00  }
0x43: {  	_ =	swait.ge [sflag:s20], $0x400  }
0x44: {  	[sflag:s20] =	ssyncset.done $0x0  }
0x45: {  	[sflag:s20] =	ssyncadd.s32 $0xFFFFFC00  }
0x46: {  	_ =	swait.ge [sflag:s20], $0x400  }
0x47: {  	[sflag:s20] =	ssyncset.done $0x0  }
0x48: {  	[sflag:s20] =	ssyncadd.s32 $0xFFFFFC00  }
0x49: {  	_ =	swait.ge [sflag:s20], $0x400  }
0x4a: {  	[sflag:s20] =	ssyncset.done $0x0  }
0x4b: {  	[sflag:s20] =	ssyncadd.s32 $0xFFFFFC00  }
0x4c: {  	_ =	swait.ge [sflag:s20], $0x400  }
0x4d: {  	[sflag:s20] =	ssyncset.done $0x0  }
0x4e: {  	[sflag:s20] =	ssyncadd.s32 $0xFFFFFC00  }
0x4f: {  	_ =	swait.ge [sflag:s20], $0x400  }
0x50: {  	[sflag:s20] =	ssyncset.done $0x0  }
0x51: {  	[sflag:s20] =	ssyncadd.s32 $0xFFFFFC00  }
0x52: {  	_ =	swait.ge [sflag:s20], $0x400  }
0x53: {  	[sflag:s20] =	ssyncset.done $0x0  }
0x54: {  	[sflag:s20] =	ssyncadd.s32 $0xFFFFFC00  }
0x55: {  	_ =	swait.ge [sflag:s20], $0x400  }
0x56: {  	[sflag:s20] =	ssyncset.done $0x0  }
0x57: {  	[sflag:s20] =	ssyncadd.s32 $0xFFFFFC00  }
0x58: {  	_ =	swait.ge [sflag:s20], $0x400  }
0x59: {  	[sflag:s20] =	ssyncset.done $0x0  }
0x5a: {  	[sflag:s20] =	ssyncadd.s32 $0xFFFFFC00  }
0x5b: {  	_ =	swait.ge [sflag:s20], $0x400  }
0x5c: {  	[sflag:s20] =	ssyncset.done $0x0  }
0x5d: {  	[sflag:s20] =	ssyncadd.s32 $0xFFFFFC00  }
0x5e: {  	_ =	swait.ge [sflag:s20], $0x400  }
0x5f: {  	[sflag:s20] =	ssyncset.done $0x0  }
0x60: {  	[sflag:s20] =	ssyncadd.s32 $0xFFFFFC00  }
0x61: {  	_ =	swait.ge [sflag:s20], $0x400  }
0x62: {  	[sflag:s20] =	ssyncset.done $0x0  }
0x63: {  	[sflag:s20] =	ssyncadd.s32 $0xFFFFFC00  }
0x64: {  	_ =	swait.ge [sflag:s20], $0x400  }
0x65: {  	[sflag:s20] =	ssyncset.done $0x0  }
0x66: {  	[sflag:s20] =	ssyncadd.s32 $0xFFFFFC00  }
0x67: {  	_ =	swait.ge [sflag:s20], $0x400  }
0x68: {  	[sflag:s20] =	ssyncset.done $0x0  }
0x69: {  	[sflag:s20] =	ssyncadd.s32 $0xFFFFFC00  }
0x6a: {  	s28 =	simm.s32 $0xF00;
	s22 =	simm.s32 $0x780;
	_ =	swait.ge [sflag:s20], $0x400  }
0x6b: {  	s23 =	sadd.s32 $0x780, s5;
	s26 =	rddreg [dreg:$0x10];
	[sflag:s20] =	ssyncset.done $0x0  }
.LBB2_2:
0x6c: {  	s29 =	sadd.s32 s28, s5;
	[sflag:s20] =	ssyncadd.s32 $0xFFFFFC00  }
0x6d: {  	[tilespmem:s3], [sflag:$0x1] =	stream.linear.gather [hbm4b:s23+s3], $0x400, $0x38;
	[tilespmem:$0x3C00] =	vst v63  }
0x6e: {  	s30 =	rddreg [dreg:$0xf];
	s25 =	smov.u32 s28;
	s26 =	sadd.s32 s22, s26  }
0x6f: {  	[tilespmem:s6], [sflag:$0x1] =	stream.linear.gather [hbm4b:s26+s3], $0x400, $0x38;
	[tilespmem:$0x3C00] =	vst v63  }
0x70: {  	s24 =	sadd.s32 $0x780, s28;
	s31 =	rddreg [dreg:$0xe];
	s30 =	sadd.s32 s22, s30  }
0x71: {  	[tilespmem:s7], [sflag:$0x1] =	stream.linear.gather [hbm4b:s30+s3], $0x400, $0x38;
	[tilespmem:$0x3C00] =	vst v63  }
0x72: {  	p1 =	sne.s32 s28, $0xBB80;
	s28 =	rddreg [dreg:$0xd];
	s26 =	sadd.s32 s22, s31  }
0x73: {  	[tilespmem:s8], [sflag:$0x1] =	stream.linear.gather [hbm4b:s26+s3], $0x400, $0x38;
	[tilespmem:$0x3C00] =	vst v63  }
0x74: {  	s23 =	smov.u32 s29;
	s29 =	sadd.s32 s22, s28;
	s31 =	rddreg [dreg:$0xc]  }
0x75: {  	[tilespmem:s9], [sflag:$0x1] =	stream.linear.gather [hbm4b:s29+s3], $0x400, $0x38;
	[tilespmem:$0x3C00] =	vst v63  }
0x76: {  	s28 =	rddreg [dreg:$0xb];
	s30 =	sadd.s32 s22, s31  }
0x77: {  	[tilespmem:s10], [sflag:$0x1] =	stream.linear.gather [hbm4b:s30+s3], $0x400, $0x38;
	[tilespmem:$0x3C00] =	vst v63  }
0x78: {  	s31 =	rddreg [dreg:$0xa];
	s30 =	sadd.s32 s22, s28  }
0x79: {  	[tilespmem:s11], [sflag:$0x1] =	stream.linear.gather [hbm4b:s30+s3], $0x400, $0x38;
	[tilespmem:$0x3C00] =	vst v63  }
0x7a: {  	s31 =	sadd.s32 s22, s31;
	s28 =	rddreg [dreg:$0x9]  }
0x7b: {  	[tilespmem:s12], [sflag:$0x1] =	stream.linear.gather [hbm4b:s31+s3], $0x400, $0x38;
	[tilespmem:$0x3C00] =	vst v63  }
0x7c: {  	s30 =	rddreg [dreg:$0x8];
	s31 =	sadd.s32 s22, s28  }
0x7d: {  	[tilespmem:s13], [sflag:$0x1] =	stream.linear.gather [hbm4b:s31+s3], $0x400, $0x38;
	[tilespmem:$0x3C00] =	vst v63  }
0x7e: {  	s30 =	sadd.s32 s22, s30;
	s28 =	rddreg [dreg:$0x7]  }
0x7f: {  	[tilespmem:s14], [sflag:$0x1] =	stream.linear.gather [hbm4b:s30+s3], $0x400, $0x38;
	[tilespmem:$0x3C00] =	vst v63  }
0x80: {  	s31 =	rddreg [dreg:$0x6];
	s30 =	sadd.s32 s22, s28  }
0x81: {  	[tilespmem:s15], [sflag:$0x1] =	stream.linear.gather [hbm4b:s30+s3], $0x400, $0x38;
	[tilespmem:$0x3C00] =	vst v63  }
0x82: {  	s31 =	sadd.s32 s22, s31;
	s28 =	rddreg [dreg:$0x5]  }
0x83: {  	[tilespmem:s16], [sflag:$0x1] =	stream.linear.gather [hbm4b:s31+s3], $0x400, $0x38;
	[tilespmem:$0x3C00] =	vst v63  }
0x84: {  	s30 =	rddreg [dreg:$0x4];
	s31 =	sadd.s32 s22, s28  }
0x85: {  	[tilespmem:s17], [sflag:$0x1] =	stream.linear.gather [hbm4b:s31+s3], $0x400, $0x38;
	[tilespmem:$0x3C00] =	vst v63  }
0x86: {  	s30 =	sadd.s32 s22, s30;
	s28 =	rddreg [dreg:$0x3]  }
0x87: {  	[tilespmem:s18], [sflag:$0x1] =	stream.linear.gather [hbm4b:s30+s3], $0x400, $0x38;
	[tilespmem:$0x3C00] =	vst v63  }
0x88: {  	s31 =	sadd.s32 s22, s28  }
0x89: {  	[tilespmem:s19], [sflag:$0x1] =	stream.linear.gather [hbm4b:s31+s3], $0x400, $0x38;
	[tilespmem:$0x3C00] =	vst v63  }
0x8a: {  	_ =	swait.ge [sflag:s20], $0x400  }
0x8b: {  	[sflag:s20] =	ssyncset.done $0x0  }
0x8c: {  	[sflag:s20] =	ssyncadd.s32 $0xFFFFFC00  }
0x8d: {  	_ =	swait.ge [sflag:s20], $0x400  }
0x8e: {  	[sflag:s20] =	ssyncset.done $0x0  }
0x8f: {  	[sflag:s20] =	ssyncadd.s32 $0xFFFFFC00  }
0x90: {  	_ =	swait.ge [sflag:s20], $0x400  }
0x91: {  	[sflag:s20] =	ssyncset.done $0x0  }
0x92: {  	[sflag:s20] =	ssyncadd.s32 $0xFFFFFC00  }
0x93: {  	_ =	swait.ge [sflag:s20], $0x400  }
0x94: {  	[sflag:s20] =	ssyncset.done $0x0  }
0x95: {  	[sflag:s20] =	ssyncadd.s32 $0xFFFFFC00  }
0x96: {  	_ =	swait.ge [sflag:s20], $0x400  }
0x97: {  	[sflag:s20] =	ssyncset.done $0x0  }
0x98: {  	[sflag:s20] =	ssyncadd.s32 $0xFFFFFC00  }
0x99: {  	_ =	swait.ge [sflag:s20], $0x400  }
0x9a: {  	[sflag:s20] =	ssyncset.done $0x0  }
0x9b: {  	[sflag:s20] =	ssyncadd.s32 $0xFFFFFC00  }
0x9c: {  	_ =	swait.ge [sflag:s20], $0x400  }
0x9d: {  	[sflag:s20] =	ssyncset.done $0x0  }
0x9e: {  	[sflag:s20] =	ssyncadd.s32 $0xFFFFFC00  }
0x9f: {  	_ =	swait.ge [sflag:s20], $0x400  }
0xa0: {  	[sflag:s20] =	ssyncset.done $0x0  }
0xa1: {  	[sflag:s20] =	ssyncadd.s32 $0xFFFFFC00  }
0xa2: {  	_ =	swait.ge [sflag:s20], $0x400  }
0xa3: {  	[sflag:s20] =	ssyncset.done $0x0  }
0xa4: {  	[sflag:s20] =	ssyncadd.s32 $0xFFFFFC00  }
0xa5: {  	_ =	swait.ge [sflag:s20], $0x400  }
0xa6: {  	[sflag:s20] =	ssyncset.done $0x0  }
0xa7: {  	[sflag:s20] =	ssyncadd.s32 $0xFFFFFC00  }
0xa8: {  	_ =	swait.ge [sflag:s20], $0x400  }
0xa9: {  	[sflag:s20] =	ssyncset.done $0x0  }
0xaa: {  	[sflag:s20] =	ssyncadd.s32 $0xFFFFFC00  }
0xab: {  	_ =	swait.ge [sflag:s20], $0x400  }
0xac: {  	[sflag:s20] =	ssyncset.done $0x0  }
0xad: {  	[sflag:s20] =	ssyncadd.s32 $0xFFFFFC00  }
0xae: {  	_ =	swait.ge [sflag:s20], $0x400  }
0xaf: {  	[sflag:s20] =	ssyncset.done $0x0  }
0xb0: {  	[sflag:s20] =	ssyncadd.s32 $0xFFFFFC00  }
.Ltmp0:
0xb1: {  	_ =	swait.ge [sflag:s20], $0x400;
	(pc) =	sbr.rel @p1 .LBB2_2-.Ltmp0, $4  }
0xb2: {  	[sflag:s20] =	ssyncset.done $0x0  }
0xb3: {  	[sflag:s20] =	ssyncadd.s32 $0xFFFFFC00  }
0xb4: {  	s22 =	smov.u32 s25;
	_ =	swait.ge [sflag:s20], $0x400  }
0xb5: {  	s28 =	smov.u32 s24;
	s26 =	rddreg [dreg:$0x10];
	[sflag:s20] =	ssyncset.done $0x0  }
0xb6: {  	[sflag:s20] =	ssyncadd.s32 $0xFFFFFC00  }
0xb7: {  	[tilespmem:s3], [sflag:$0x1] =	stream.linear.gather [hbm4b:s23+s3], $0x400, $0x38;
	[tilespmem:$0x3C00] =	vst v63  }
0xb8: {  	s24 =	rddreg [dreg:$0xf];
	s31 =	sadd.s32 s22, s26  }
0xb9: {  	[tilespmem:s6], [sflag:$0x1] =	stream.linear.gather [hbm4b:s31+s3], $0x400, $0x38;
	[tilespmem:$0x3C00] =	vst v63  }
0xba: {  	s25 =	rddreg [dreg:$0xe];
	s24 =	sadd.s32 s22, s24  }
0xbb: {  	[tilespmem:s7], [sflag:$0x1] =	stream.linear.gather [hbm4b:s24+s3], $0x400, $0x38;
	[tilespmem:$0x3C00] =	vst v63  }
0xbc: {  	s26 =	rddreg [dreg:$0xd];
	s28 =	sadd.s32 s22, s25  }
0xbd: {  	[tilespmem:s8], [sflag:$0x1] =	stream.linear.gather [hbm4b:s28+s3], $0x400, $0x38;
	[tilespmem:$0x3C00] =	vst v63  }
0xbe: {  	s29 =	rddreg [dreg:$0xc];
	s30 =	sadd.s32 s22, s26  }
0xbf: {  	[tilespmem:s9], [sflag:$0x1] =	stream.linear.gather [hbm4b:s30+s3], $0x400, $0x38;
	[tilespmem:$0x3C00] =	vst v63  }
0xc0: {  	s25 =	sadd.s32 s22, s29;
	s31 =	rddreg [dreg:$0xb]  }
0xc1: {  	[tilespmem:s10], [sflag:$0x1] =	stream.linear.gather [hbm4b:s25+s3], $0x400, $0x38;
	[tilespmem:$0x3C00] =	vst v63  }
0xc2: {  	s26 =	rddreg [dreg:$0xa];
	s28 =	sadd.s32 s22, s31  }
0xc3: {  	[tilespmem:s11], [sflag:$0x1] =	stream.linear.gather [hbm4b:s28+s3], $0x400, $0x38;
	[tilespmem:$0x3C00] =	vst v63  }
0xc4: {  	s29 =	rddreg [dreg:$0x9];
	s30 =	sadd.s32 s22, s26  }
0xc5: {  	[tilespmem:s12], [sflag:$0x1] =	stream.linear.gather [hbm4b:s30+s3], $0x400, $0x38;
	[tilespmem:$0x3C00] =	vst v63  }
0xc6: {  	s24 =	sadd.s32 s22, s29;
	s31 =	rddreg [dreg:$0x8]  }
0xc7: {  	[tilespmem:s13], [sflag:$0x1] =	stream.linear.gather [hbm4b:s24+s3], $0x400, $0x38;
	[tilespmem:$0x3C00] =	vst v63  }
0xc8: {  	s26 =	rddreg [dreg:$0x7];
	s28 =	sadd.s32 s22, s31  }
0xc9: {  	[tilespmem:s14], [sflag:$0x1] =	stream.linear.gather [hbm4b:s28+s3], $0x400, $0x38;
	[tilespmem:$0x3C00] =	vst v63  }
0xca: {  	s29 =	rddreg [dreg:$0x6];
	s30 =	sadd.s32 s22, s26  }
0xcb: {  	[tilespmem:s15], [sflag:$0x1] =	stream.linear.gather [hbm4b:s30+s3], $0x400, $0x38;
	[tilespmem:$0x3C00] =	vst v63  }
0xcc: {  	s25 =	sadd.s32 s22, s29;
	s31 =	rddreg [dreg:$0x5]  }
0xcd: {  	[tilespmem:s16], [sflag:$0x1] =	stream.linear.gather [hbm4b:s25+s3], $0x400, $0x38;
	[tilespmem:$0x3C00] =	vst v63  }
0xce: {  	s26 =	rddreg [dreg:$0x4];
	s28 =	sadd.s32 s22, s31  }
0xcf: {  	[tilespmem:s17], [sflag:$0x1] =	stream.linear.gather [hbm4b:s28+s3], $0x400, $0x38;
	[tilespmem:$0x3C00] =	vst v63  }
0xd0: {  	s29 =	rddreg [dreg:$0x3];
	s30 =	sadd.s32 s22, s26  }
0xd1: {  	[tilespmem:s18], [sflag:$0x1] =	stream.linear.gather [hbm4b:s30+s3], $0x400, $0x38;
	[tilespmem:$0x3C00] =	vst v63  }
0xd2: {  	s31 =	sadd.s32 s22, s29  }
0xd3: {  	[tilespmem:s19], [sflag:$0x1] =	stream.linear.gather [hbm4b:s31+s3], $0x400, $0x38;
	[tilespmem:$0x3C00] =	vst v63  }
0xd4: {  	_ =	swait.ge [sflag:s20], $0x400  }
0xd5: {  	[sflag:s20] =	ssyncset.done $0x0  }
0xd6: {  	[sflag:s20] =	ssyncadd.s32 $0xFFFFFC00  }
0xd7: {  	_ =	swait.ge [sflag:s20], $0x400  }
0xd8: {  	[sflag:s20] =	ssyncset.done $0x0  }
0xd9: {  	[sflag:s20] =	ssyncadd.s32 $0xFFFFFC00  }
0xda: {  	_ =	swait.ge [sflag:s20], $0x400  }
0xdb: {  	[sflag:s20] =	ssyncset.done $0x0  }
0xdc: {  	[sflag:s20] =	ssyncadd.s32 $0xFFFFFC00  }
0xdd: {  	_ =	swait.ge [sflag:s20], $0x400  }
0xde: {  	[sflag:s20] =	ssyncset.done $0x0  }
0xdf: {  	[sflag:s20] =	ssyncadd.s32 $0xFFFFFC00  }
0xe0: {  	_ =	swait.ge [sflag:s20], $0x400  }
0xe1: {  	[sflag:s20] =	ssyncset.done $0x0  }
0xe2: {  	[sflag:s20] =	ssyncadd.s32 $0xFFFFFC00  }
0xe3: {  	_ =	swait.ge [sflag:s20], $0x400  }
0xe4: {  	[sflag:s20] =	ssyncset.done $0x0  }
0xe5: {  	[sflag:s20] =	ssyncadd.s32 $0xFFFFFC00  }
0xe6: {  	_ =	swait.ge [sflag:s20], $0x400  }
0xe7: {  	[sflag:s20] =	ssyncset.done $0x0  }
0xe8: {  	[sflag:s20] =	ssyncadd.s32 $0xFFFFFC00  }
0xe9: {  	_ =	swait.ge [sflag:s20], $0x400  }
0xea: {  	[sflag:s20] =	ssyncset.done $0x0  }
0xeb: {  	[sflag:s20] =	ssyncadd.s32 $0xFFFFFC00  }
0xec: {  	_ =	swait.ge [sflag:s20], $0x400  }
0xed: {  	[sflag:s20] =	ssyncset.done $0x0  }
0xee: {  	[sflag:s20] =	ssyncadd.s32 $0xFFFFFC00  }
0xef: {  	_ =	swait.ge [sflag:s20], $0x400  }
0xf0: {  	[sflag:s20] =	ssyncset.done $0x0  }
0xf1: {  	[sflag:s20] =	ssyncadd.s32 $0xFFFFFC00  }
0xf2: {  	_ =	swait.ge [sflag:s20], $0x400  }
0xf3: {  	[sflag:s20] =	ssyncset.done $0x0  }
0xf4: {  	[sflag:s20] =	ssyncadd.s32 $0xFFFFFC00  }
0xf5: {  	_ =	swait.ge [sflag:s20], $0x400  }
0xf6: {  	[sflag:s20] =	ssyncset.done $0x0  }
0xf7: {  	[sflag:s20] =	ssyncadd.s32 $0xFFFFFC00  }
0xf8: {  	_ =	swait.ge [sflag:s20], $0x400  }
0xf9: {  	[sflag:s20] =	ssyncset.done $0x0  }
0xfa: {  	[sflag:s20] =	ssyncadd.s32 $0xFFFFFC00  }
0xfb: {  	_ =	swait.ge [sflag:s20], $0x400  }
0xfc: {  	[sflag:s20] =	ssyncset.done $0x0  }
0xfd: {  	[sflag:s20] =	ssyncadd.s32 $0xFFFFFC00  }
0xfe: {  	_ =	swait.ge [sflag:s20], $0x400  }
0xff: {  	s21 =	sadd.s32 $0x1, s21;
	[sflag:s20] =	ssyncset.done $0x0  }
0x100: {  	p1 =	sne.s32 s21, s4;
	s22 =	simm.s32 @!p0 $0x0;
	[sflag:s20] =	ssyncadd.s32 $0xFFFFFC00  }
0x101: {  	[hbm4b:s2+s22] =	stream.linear.scatter @!p0 [tilespmem:s22], [sflag:$0x2], $0x400, $0x38;
	[tilespmem:$0x3C00] =	vst v63  }
.Ltmp1:
0x102: {  	_ = 	snop;
	(pc) =	sbr.rel @p1 .LBB2_1-.Ltmp1, $4  }
0x103: {  	s22 =	simm.s32 @!p0 $0x2  }
0x104: {  	_ =	swait.ge @!p0 [sflag:s22], $0x400  }
0x105: {  	[sflag:s22] =	ssyncset.done @!p0 $0x0  }
0x106: {  	[sflag:s22] =	ssyncadd.s32 @!p0 $0xFFFFFC00  }
0x107: {  	_ =	sfence.sel $0x180000  }
0x108: {  	[bflag:$0x0] =	sbarrier.arrive $0xFFFF  }
0x109: {  	p0 =	sne.s32 s0, $0x0;
	_ =	strace $0x90000047  }
0x10a: {  	s0 =	sadd.s32 @!p0 $0x100000, s1;
	[bflag:$0x2] =	sbarrier.arrive $0xFFFF  }
0x10b: {  	[sflag:s0] =	ssyncadd.tile.s32 @!p0 $0x1;
	_ =	shalt  }
.Lfunc_end2:
_tile_overlayer_lowered:
.L_overlay_start_2:
0x10c: {  	(tag) =	ssettag $0x2  }
0x10d: {  	s0 =	rddreg [dreg:$0x0];
	s2 =	stileid.u32  }
0x10e: {  	s1 =	rddreg [dreg:$0x1];
	p0 =	sne.s32 s2, $0x0  }
0x10f: {  	s3 =	rddreg [dreg:$0x2];
	[bflag:$0x3] =	sbarrier.arrive $0xFFFF;
	s2 =	simm.s32 @!p0 $0x1C02  }
0x110: {  	[timem:s3], [sflag:s2] =	dma.local @!p0 [hbm:s0], s1  }
0x111: {  	s0 =	simm.s32 @!p0 $0x2  }
0x112: {  	_ =	swait.ge @!p0 [sflag:s0], s1  }
0x113: {  	s1 =	ssub.s32 @!p0 $0x0, s1;
	[sflag:s0] =	ssyncset.done @!p0 $0x0  }
0x114: {  	[sflag:s0] =	ssyncadd.s32 @!p0 s1  }
0x115: {  	[bflag:$0x3] =	sbarrier.arrive $0xFFFF  }
0x116: {  	_ =	shalt  }

</sc_bundles>
